<compile_context>
chip_gen: v7x
topology: tpu7x:2x2x1
jax: 0.10.2.dev20260603
libtpu: 0.0.44.dev20260713+nightly
codegen_flags: <defaults>
</compile_context>

<pallas_src>
import functools

import jax
import jax.numpy as jnp
from jax import lax
from jax.experimental import pallas as pl
from jax.experimental.pallas import tpu as pltpu
from jax.experimental.pallas import tpu_sc as plsc

_N_PRED = 20
_M = 12


def _soft_sqrt(x):
    i = plsc.bitcast(x, jnp.int32)
    y = plsc.bitcast(jnp.int32(0x5F3759DF) - lax.shift_right_logical(i, 1),
                     jnp.float32)
    xh = 0.5 * x
    y = y * (1.5 - xh * y * y)
    y = y * (1.5 - xh * y * y)
    y = y * (1.5 - xh * y * y)
    return x * y


def _soft_log(x):
    i = plsc.bitcast(x, jnp.int32)
    e = lax.shift_right_logical(i, 23) - 127
    m = plsc.bitcast(
        jnp.bitwise_or(jnp.bitwise_and(i, 0x007FFFFF), 0x3F800000),
        jnp.float32)
    big = m > 1.4142135381698608
    m = jnp.where(big, 0.5 * m, m)
    ef = e.astype(jnp.float32) + jnp.where(big, 1.0, 0.0)
    t = (m - 1.0) / (m + 1.0)
    t2 = t * t
    p = 1.0 + t2 * (0.3333333333 + t2 * (0.2 + t2 * (0.1428571429
                                                     + t2 * 0.1111111111)))
    return ef * 0.6931471805599453 + (2.0 * t) * p


@functools.partial(
    pl.kernel,
    out_type=jax.ShapeDtypeStruct((16,), jnp.float32),
    mesh=plsc.VectorSubcoreMesh(core_axis_name="c", subcore_axis_name="s",
                               num_cores=1),
    compiler_params=pltpu.CompilerParams(needs_layout_passes=False,
                                         skip_device_barrier=True),
    scratch_types=[
        pltpu.VMEM((144,), jnp.float32),
        pltpu.VMEM((64,), jnp.float32),
        pltpu.VMEM((32,), jnp.float32),
        pltpu.VMEM((16,), jnp.float32),
        pltpu.SemaphoreType.DMA,
        pltpu.SemaphoreType.DMA,
    ],
)
def _sc_loss(pred_hbm, label_hbm, out_hbm, pred_v, label_v, mask_v,
             out_v, sem_p, sem_l):
    cid = lax.axis_index("c")
    sid = lax.axis_index("s")

    @pl.when(jnp.logical_and(cid == 0, sid == 0))
    def _():
        cp = pltpu.async_copy(pred_hbm, pred_v.at[pl.ds(8, 4 * _N_PRED)], sem_p)
        cl = pltpu.async_copy(label_hbm, label_v.at[pl.ds(0, 4 * _M)], sem_l)
        cl.wait()
        lanes = lax.iota(jnp.int32, 16)
        l4 = 4 * lanes
        lx = plsc.load_gather(label_v, [l4])
        ly = plsc.load_gather(label_v, [l4 + 1])
        lr = plsc.load_gather(label_v, [l4 + 2])
        cp.wait()
        bc = jnp.full((16,), 1e30, jnp.float32)
        bi = jnp.zeros((16,), jnp.int32)
        for n in range(_N_PRED):
            px = plsc.load_gather(pred_v, [jnp.full((16,), 8 + 4 * n, jnp.int32)])
            py = plsc.load_gather(pred_v,
                                  [jnp.full((16,), 8 + 4 * n + 1, jnp.int32)])
            pr = plsc.load_gather(pred_v,
                                  [jnp.full((16,), 8 + 4 * n + 2, jnp.int32)])
            dx = lx - px
            dy = ly - py
            c = 0.5 * _soft_sqrt(dx * dx + dy * dy) + 0.5 * jnp.abs(lr - pr)
            upd = c < bc
            bc = jnp.where(upd, c, bc)
            bi = jnp.where(upd, jnp.full((16,), n, jnp.int32), bi)
        valid = lanes < _M
        b4 = 4 * bi + 8
        sx = plsc.load_gather(pred_v, [b4])
        sy = plsc.load_gather(pred_v, [b4 + 1])
        sr = plsc.load_gather(pred_v, [b4 + 2])
        sp = plsc.load_gather(pred_v, [b4 + 3])
        ddx = lx - sx
        ddy = ly - sy
        pairs = (0.5 * _soft_sqrt(ddx * ddx + ddy * ddy)
                 + 0.5 * jnp.abs(lr - sr) - _soft_log(sp + 1e-6))
        pair_sum = jnp.sum(jnp.where(valid, pairs, 0.0))
        mask_v[pl.ds(0, 16)] = jnp.zeros((16,), jnp.float32)
        mask_v[pl.ds(16, 16)] = jnp.zeros((16,), jnp.float32)
        plsc.store_scatter(mask_v, [bi], jnp.ones((16,), jnp.float32),
                           mask=valid)
        r0 = plsc.load_gather(pred_v, [l4 + 10])
        r1 = plsc.load_gather(pred_v, [l4 + 74])
        p0 = plsc.load_gather(pred_v, [l4 + 11])
        p1 = plsc.load_gather(pred_v, [l4 + 75])
        m0 = mask_v[pl.ds(0, 16)]
        m1 = mask_v[pl.ds(16, 16)]
        u0 = (-_soft_log(1.0 - p0 + 1e-6) + 0.5 * r0) * 0.5
        u1 = (-_soft_log(1.0 - p1 + 1e-6) + 0.5 * r1) * 0.5
        un = (jnp.where(m0 == 0.0, u0, 0.0)
              + jnp.where(jnp.logical_and(m1 == 0.0, lanes < _N_PRED - 16),
                          u1, 0.0))
        loss = pair_sum * (1.0 / _M) + jnp.sum(un) * (1.0 / (_N_PRED - _M))
        out_v[...] = jnp.full((16,), loss)
        pltpu.sync_copy(out_v, out_hbm)


def kernel(pred, label):
    return _sc_loss(pred.reshape(4 * _N_PRED), label.reshape(4 * _M))[0]

# --- scband reference (transcript-rebuilt; emitter-appended) ---
"""Pipeline reference for scband-my-loss-17463337025647 (READ-ONLY COPY).

The authoritative reference and input builder live on the scoring server;
editing this copy changes nothing except your own understanding.
"""

import jax, jax.numpy as jnp
import numpy as np

LAMBDA_POS = 0.5
LAMBDA_RAD = 0.5
LAMBDA_UNPAIR = 0.5
N_PRED = 20


def setup_inputs(seed: int = 0) -> dict:
    key = jax.random.key(seed)
    k1, k2 = jax.random.split(key)
    # pred[:, 3] is a probability consumed by log(p + 1e-6) and log(1 - p + 1e-6),
    # so uniform [0, 1) values are in-range. Positions/radii also uniform.
    pred = jax.random.uniform(k1, (N_PRED, 4), dtype=jnp.float32)
    label = jax.random.uniform(k2, (12, 4), dtype=jnp.float32)
    return {"pred": pred, "label": label}


def _prob_loss(y_hat, y):
    return -y * jnp.log(y_hat + 1e-6) - (1.0 - y) * jnp.log(1.0 - y_hat + 1e-6)


def reference(pred, label):
    M = label.shape[0]
    # Pairwise cost matrix [M, N_PRED]: lambda_pos * euclid_dist + lambda_rad * |r_y - r_yhat|
    dx = label[:, None, 0] - pred[None, :, 0]
    dy = label[:, None, 1] - pred[None, :, 1]
    dist = jnp.sqrt(dx ** 2 + dy ** 2)
    rdiff = jnp.abs(label[:, None, 2] - pred[None, :, 2])
    cost = LAMBDA_POS * dist + LAMBDA_RAD * rdiff
    # torch loop uses strict '<' so it keeps the FIRST minimum; jnp.argmin also returns first min.
    paired_idx = jnp.argmin(cost, axis=1)
    sel = jnp.take(pred, paired_idx, axis=0)
    # pair_loss per label
    pdist = jnp.sqrt((label[:, 0] - sel[:, 0]) ** 2 + (label[:, 1] - sel[:, 1]) ** 2)
    prdiff = jnp.abs(label[:, 2] - sel[:, 2])
    prob = _prob_loss(sel[:, 3], 1.0)
    loss_pair = jnp.sum(LAMBDA_POS * pdist + LAMBDA_RAD * prdiff + prob)
    # pair_mask[paired_idx] = 1 (scatter-overwrite; duplicates just re-set to 1)
    pair_mask = jnp.zeros((N_PRED,), dtype=pred.dtype).at[paired_idx].set(1.0)
    # unpaired loss over predictions never selected
    unpair_terms = (_prob_loss(pred[:, 3], 0.0) + LAMBDA_RAD * pred[:, 2]) * LAMBDA_UNPAIR
    loss_unpair = jnp.sum(jnp.where(pair_mask == 0, unpair_terms, jnp.zeros_like(unpair_terms)))
    return loss_pair / M + loss_unpair / (N_PRED - M)

if __name__ == "__main__":
    import jax
    _d = setup_inputs()
    print(jax.jit(kernel)(*tuple(_d.values())))

</pallas_src>

<mosaic_0001>
#map = affine_map<(d0, d1) -> (0)>
module attributes {stable_mosaic.version = 14 : i64} {
  func.func @_sc_loss(%arg0: i32, %arg1: i32, %arg2: memref<80xf32, #tpu.memory_space<hbm>>, %arg3: memref<48xf32, #tpu.memory_space<hbm>>, %arg4: memref<16xf32, #tpu.memory_space<hbm>>, %arg5: memref<144xf32, #tpu.memory_space<vmem>>, %arg6: memref<64xf32, #tpu.memory_space<vmem>>, %arg7: memref<32xf32, #tpu.memory_space<vmem>>, %arg8: memref<16xf32, #tpu.memory_space<vmem>>, %arg9: memref<!tpu.dma_semaphore, #tpu.memory_space<semaphore_mem>>, %arg10: memref<!tpu.dma_semaphore, #tpu.memory_space<semaphore_mem>>) attributes {dimension_semantics = [#tpu.dimension_semantics<core_parallel>, #tpu.dimension_semantics<subcore_parallel>], iteration_bounds = array<i64: 1, 16>, scalar_prefetch = 0 : i64, scratch_operands = 6 : i64, tpu.core_type = #tpu.core_type<sc_vector_subcore>, window_params = [{transform_indices = #map}, {transform_indices = #map}, {transform_indices = #map}]} {
    %eq3A = arith.constant 0 : i32
    %eq3A_0 = arith.cmpi eq, %arg0, %eq3A : i32
    %eq3A_1 = arith.constant 0 : i32
    %eq3A_2 = arith.cmpi eq, %arg1, %eq3A_1 : i32
    %and3A = arith.andi %eq3A_0, %eq3A_2 : i1
    %convert_element_type3A = arith.extui %and3A : i1 to i32
    %cond3A = arith.constant 0 : i32
    %cond3A_3 = arith.cmpi ne, %convert_element_type3A, %cond3A : i32
    scf.if %cond3A_3 {
      %dma_start3A = arith.constant 8 : i32
      %dma_start3A_4 = tpu.memref_slice %arg5[%dma_start3A] : memref<144xf32, #tpu.memory_space<vmem>> -> memref<80xf32, #tpu.memory_space<vmem>>
      %dma_start3A_5 = arith.constant 8 : i32
      %dma_start3A_6 = tpu.memref_slice %arg5[%dma_start3A_5] : memref<144xf32, #tpu.memory_space<vmem>> -> memref<80xf32, #tpu.memory_space<vmem>>
      tpu.enqueue_dma source(%arg2 : memref<80xf32, #tpu.memory_space<hbm>>) target(%dma_start3A_6 : memref<80xf32, #tpu.memory_space<vmem>>) target_semaphore(%arg9 : memref<!tpu.dma_semaphore, #tpu.memory_space<semaphore_mem>>)
      %dma_start3A_7 = arith.constant 0 : i32
      %dma_start3A_8 = tpu.memref_slice %arg6[%dma_start3A_7] : memref<64xf32, #tpu.memory_space<vmem>> -> memref<48xf32, #tpu.memory_space<vmem>>
      %dma_start3A_9 = arith.constant 0 : i32
      %dma_start3A_10 = tpu.memref_slice %arg6[%dma_start3A_9] : memref<64xf32, #tpu.memory_space<vmem>> -> memref<48xf32, #tpu.memory_space<vmem>>
      tpu.enqueue_dma source(%arg3 : memref<48xf32, #tpu.memory_space<hbm>>) target(%dma_start3A_10 : memref<48xf32, #tpu.memory_space<vmem>>) target_semaphore(%arg10 : memref<!tpu.dma_semaphore, #tpu.memory_space<semaphore_mem>>)
      %dma_wait3A = arith.constant 0 : i32
      %dma_wait3A_11 = tpu.memref_slice %arg6[%dma_wait3A] : memref<64xf32, #tpu.memory_space<vmem>> -> memref<48xf32, #tpu.memory_space<vmem>>
      %dma_wait3A_12 = arith.constant 0 : i32
      %dma_wait3A_13 = tpu.memref_slice %arg6[%dma_wait3A_12] : memref<64xf32, #tpu.memory_space<vmem>> -> memref<48xf32, #tpu.memory_space<vmem>>
      tpu.wait_dma2 semaphore(%arg10 : memref<!tpu.dma_semaphore, #tpu.memory_space<semaphore_mem>>) src(%arg3 : memref<48xf32, #tpu.memory_space<hbm>>) dst(%dma_wait3A_13 : memref<48xf32, #tpu.memory_space<vmem>>)
      %iota3A = tpu.iota {dimensions = array<i32: 0>} : vector<16xi32>
      %mul3A = arith.constant 4 : i32
      %mul3A_14 = vector.broadcast %mul3A : i32 to vector<16xi32>
      %mul3A_15 = arith.muli %mul3A_14, %iota3A : vector<16xi32>
      %gather3A = tpu.vector_load_idx %arg6[%mul3A_15] : memref<64xf32, #tpu.memory_space<vmem>>[vector<16xi32>], vector<16xf32>,
      %add3A = arith.constant 1 : i32
      %add3A_16 = vector.broadcast %add3A : i32 to vector<16xi32>
      %add3A_17 = arith.addi %mul3A_15, %add3A_16 : vector<16xi32>
      %gather3A_18 = tpu.vector_load_idx %arg6[%add3A_17] : memref<64xf32, #tpu.memory_space<vmem>>[vector<16xi32>], vector<16xf32>,
      %add3A_19 = arith.constant 2 : i32
      %add3A_20 = vector.broadcast %add3A_19 : i32 to vector<16xi32>
      %add3A_21 = arith.addi %mul3A_15, %add3A_20 : vector<16xi32>
      %gather3A_22 = tpu.vector_load_idx %arg6[%add3A_21] : memref<64xf32, #tpu.memory_space<vmem>>[vector<16xi32>], vector<16xf32>,
      %dma_wait3A_23 = arith.constant 8 : i32
      %dma_wait3A_24 = tpu.memref_slice %arg5[%dma_wait3A_23] : memref<144xf32, #tpu.memory_space<vmem>> -> memref<80xf32, #tpu.memory_space<vmem>>
      %dma_wait3A_25 = arith.constant 8 : i32
      %dma_wait3A_26 = tpu.memref_slice %arg5[%dma_wait3A_25] : memref<144xf32, #tpu.memory_space<vmem>> -> memref<80xf32, #tpu.memory_space<vmem>>
      tpu.wait_dma2 semaphore(%arg9 : memref<!tpu.dma_semaphore, #tpu.memory_space<semaphore_mem>>) src(%arg2 : memref<80xf32, #tpu.memory_space<hbm>>) dst(%dma_wait3A_26 : memref<80xf32, #tpu.memory_space<vmem>>)
      %broadcast_in_dim3A = arith.constant 1.000000e+30 : f32
      %broadcast_in_dim3A_27 = vector.broadcast %broadcast_in_dim3A : f32 to vector<16xf32>
      %broadcast_in_dim3A_28 = arith.constant 0 : i32
      %broadcast_in_dim3A_29 = vector.broadcast %broadcast_in_dim3A_28 : i32 to vector<16xi32>
      %broadcast_in_dim3A_30 = arith.constant 8 : i32
      %broadcast_in_dim3A_31 = vector.broadcast %broadcast_in_dim3A_30 : i32 to vector<16xi32>
      %gather3A_32 = tpu.vector_load_idx %arg5[%broadcast_in_dim3A_31] : memref<144xf32, #tpu.memory_space<vmem>>[vector<16xi32>], vector<16xf32>,
      %broadcast_in_dim3A_33 = arith.constant 9 : i32
      %broadcast_in_dim3A_34 = vector.broadcast %broadcast_in_dim3A_33 : i32 to vector<16xi32>
      %gather3A_35 = tpu.vector_load_idx %arg5[%broadcast_in_dim3A_34] : memref<144xf32, #tpu.memory_space<vmem>>[vector<16xi32>], vector<16xf32>,
      %broadcast_in_dim3A_36 = arith.constant 10 : i32
      %broadcast_in_dim3A_37 = vector.broadcast %broadcast_in_dim3A_36 : i32 to vector<16xi32>
      %gather3A_38 = tpu.vector_load_idx %arg5[%broadcast_in_dim3A_37] : memref<144xf32, #tpu.memory_space<vmem>>[vector<16xi32>], vector<16xf32>,
      %sub3A = arith.subf %gather3A, %gather3A_32 : vector<16xf32>
      %sub3A_39 = arith.subf %gather3A_18, %gather3A_35 : vector<16xf32>
      %mul3A_40 = arith.mulf %sub3A, %sub3A : vector<16xf32>
      %mul3A_41 = arith.mulf %sub3A_39, %sub3A_39 : vector<16xf32>
      %add3A_42 = arith.addf %mul3A_40, %mul3A_41 : vector<16xf32>
      %bitcast3A = vector.bitcast %add3A_42 : vector<16xf32> to vector<16xi32>
      %shift_right_logical3A = arith.constant 1 : i32
      %shift_right_logical3A_43 = vector.broadcast %shift_right_logical3A : i32 to vector<16xi32>
      %shift_right_logical3A_44 = arith.shrui %bitcast3A, %shift_right_logical3A_43 : vector<16xi32>
      %sub3A_45 = arith.constant 1597463007 : i32
      %sub3A_46 = vector.broadcast %sub3A_45 : i32 to vector<16xi32>
      %sub3A_47 = arith.subi %sub3A_46, %shift_right_logical3A_44 : vector<16xi32>
      %bitcast3A_48 = vector.bitcast %sub3A_47 : vector<16xi32> to vector<16xf32>
      %mul3A_49 = arith.constant 5.000000e-01 : f32
      %mul3A_50 = vector.broadcast %mul3A_49 : f32 to vector<16xf32>
      %mul3A_51 = arith.mulf %mul3A_50, %add3A_42 : vector<16xf32>
      %mul3A_52 = arith.mulf %mul3A_51, %bitcast3A_48 : vector<16xf32>
      %mul3A_53 = arith.mulf %mul3A_52, %bitcast3A_48 : vector<16xf32>
      %sub3A_54 = arith.constant 1.500000e+00 : f32
      %sub3A_55 = vector.broadcast %sub3A_54 : f32 to vector<16xf32>
      %sub3A_56 = arith.subf %sub3A_55, %mul3A_53 : vector<16xf32>
      %mul3A_57 = arith.mulf %bitcast3A_48, %sub3A_56 : vector<16xf32>
      %mul3A_58 = arith.mulf %mul3A_51, %mul3A_57 : vector<16xf32>
      %mul3A_59 = arith.mulf %mul3A_58, %mul3A_57 : vector<16xf32>
      %sub3A_60 = arith.constant 1.500000e+00 : f32
      %sub3A_61 = vector.broadcast %sub3A_60 : f32 to vector<16xf32>
      %sub3A_62 = arith.subf %sub3A_61, %mul3A_59 : vector<16xf32>
      %mul3A_63 = arith.mulf %mul3A_57, %sub3A_62 : vector<16xf32>
      %mul3A_64 = arith.mulf %mul3A_51, %mul3A_63 : vector<16xf32>
      %mul3A_65 = arith.mulf %mul3A_64, %mul3A_63 : vector<16xf32>
      %sub3A_66 = arith.constant 1.500000e+00 : f32
      %sub3A_67 = vector.broadcast %sub3A_66 : f32 to vector<16xf32>
      %sub3A_68 = arith.subf %sub3A_67, %mul3A_65 : vector<16xf32>
      %mul3A_69 = arith.mulf %mul3A_63, %sub3A_68 : vector<16xf32>
      %mul3A_70 = arith.mulf %add3A_42, %mul3A_69 : vector<16xf32>
      %mul3A_71 = arith.constant 5.000000e-01 : f32
      %mul3A_72 = vector.broadcast %mul3A_71 : f32 to vector<16xf32>
      %mul3A_73 = arith.mulf %mul3A_72, %mul3A_70 : vector<16xf32>
      %sub3A_74 = arith.subf %gather3A_22, %gather3A_38 : vector<16xf32>
      %abs3A = math.absf %sub3A_74 : vector<16xf32>
      %mul3A_75 = arith.constant 5.000000e-01 : f32
      %mul3A_76 = vector.broadcast %mul3A_75 : f32 to vector<16xf32>
      %mul3A_77 = arith.mulf %mul3A_76, %abs3A : vector<16xf32>
      %add3A_78 = arith.addf %mul3A_73, %mul3A_77 : vector<16xf32>
      %lt3A = arith.cmpf olt, %add3A_78, %broadcast_in_dim3A_27 : vector<16xf32>
      %select_n3A = arith.select %lt3A, %add3A_78, %broadcast_in_dim3A_27 : vector<16xi1>, vector<16xf32>
      %broadcast_in_dim3A_79 = arith.constant 0 : i32
      %broadcast_in_dim3A_80 = vector.broadcast %broadcast_in_dim3A_79 : i32 to vector<16xi32>
      %select_n3A_81 = arith.select %lt3A, %broadcast_in_dim3A_80, %broadcast_in_dim3A_29 : vector<16xi1>, vector<16xi32>
      %broadcast_in_dim3A_82 = arith.constant 12 : i32
      %broadcast_in_dim3A_83 = vector.broadcast %broadcast_in_dim3A_82 : i32 to vector<16xi32>
      %gather3A_84 = tpu.vector_load_idx %arg5[%broadcast_in_dim3A_83] : memref<144xf32, #tpu.memory_space<vmem>>[vector<16xi32>], vector<16xf32>,
      %broadcast_in_dim3A_85 = arith.constant 13 : i32
      %broadcast_in_dim3A_86 = vector.broadcast %broadcast_in_dim3A_85 : i32 to vector<16xi32>
      %gather3A_87 = tpu.vector_load_idx %arg5[%broadcast_in_dim3A_86] : memref<144xf32, #tpu.memory_space<vmem>>[vector<16xi32>], vector<16xf32>,
      %broadcast_in_dim3A_88 = arith.constant 14 : i32
      %broadcast_in_dim3A_89 = vector.broadcast %broadcast_in_dim3A_88 : i32 to vector<16xi32>
      %gather3A_90 = tpu.vector_load_idx %arg5[%broadcast_in_dim3A_89] : memref<144xf32, #tpu.memory_space<vmem>>[vector<16xi32>], vector<16xf32>,
      %sub3A_91 = arith.subf %gather3A, %gather3A_84 : vector<16xf32>
      %sub3A_92 = arith.subf %gather3A_18, %gather3A_87 : vector<16xf32>
      %mul3A_93 = arith.mulf %sub3A_91, %sub3A_91 : vector<16xf32>
      %mul3A_94 = arith.mulf %sub3A_92, %sub3A_92 : vector<16xf32>
      %add3A_95 = arith.addf %mul3A_93, %mul3A_94 : vector<16xf32>
      %bitcast3A_96 = vector.bitcast %add3A_95 : vector<16xf32> to vector<16xi32>
      %shift_right_logical3A_97 = arith.constant 1 : i32
      %shift_right_logical3A_98 = vector.broadcast %shift_right_logical3A_97 : i32 to vector<16xi32>
      %shift_right_logical3A_99 = arith.shrui %bitcast3A_96, %shift_right_logical3A_98 : vector<16xi32>
      %sub3A_100 = arith.constant 1597463007 : i32
      %sub3A_101 = vector.broadcast %sub3A_100 : i32 to vector<16xi32>
      %sub3A_102 = arith.subi %sub3A_101, %shift_right_logical3A_99 : vector<16xi32>
      %bitcast3A_103 = vector.bitcast %sub3A_102 : vector<16xi32> to vector<16xf32>
      %mul3A_104 = arith.constant 5.000000e-01 : f32
      %mul3A_105 = vector.broadcast %mul3A_104 : f32 to vector<16xf32>
      %mul3A_106 = arith.mulf %mul3A_105, %add3A_95 : vector<16xf32>
      %mul3A_107 = arith.mulf %mul3A_106, %bitcast3A_103 : vector<16xf32>
      %mul3A_108 = arith.mulf %mul3A_107, %bitcast3A_103 : vector<16xf32>
      %sub3A_109 = arith.constant 1.500000e+00 : f32
      %sub3A_110 = vector.broadcast %sub3A_109 : f32 to vector<16xf32>
      %sub3A_111 = arith.subf %sub3A_110, %mul3A_108 : vector<16xf32>
      %mul3A_112 = arith.mulf %bitcast3A_103, %sub3A_111 : vector<16xf32>
      %mul3A_113 = arith.mulf %mul3A_106, %mul3A_112 : vector<16xf32>
      %mul3A_114 = arith.mulf %mul3A_113, %mul3A_112 : vector<16xf32>
      %sub3A_115 = arith.constant 1.500000e+00 : f32
      %sub3A_116 = vector.broadcast %sub3A_115 : f32 to vector<16xf32>
      %sub3A_117 = arith.subf %sub3A_116, %mul3A_114 : vector<16xf32>
      %mul3A_118 = arith.mulf %mul3A_112, %sub3A_117 : vector<16xf32>
      %mul3A_119 = arith.mulf %mul3A_106, %mul3A_118 : vector<16xf32>
      %mul3A_120 = arith.mulf %mul3A_119, %mul3A_118 : vector<16xf32>
      %sub3A_121 = arith.constant 1.500000e+00 : f32
      %sub3A_122 = vector.broadcast %sub3A_121 : f32 to vector<16xf32>
      %sub3A_123 = arith.subf %sub3A_122, %mul3A_120 : vector<16xf32>
      %mul3A_124 = arith.mulf %mul3A_118, %sub3A_123 : vector<16xf32>
      %mul3A_125 = arith.mulf %add3A_95, %mul3A_124 : vector<16xf32>
      %mul3A_126 = arith.constant 5.000000e-01 : f32
      %mul3A_127 = vector.broadcast %mul3A_126 : f32 to vector<16xf32>
      %mul3A_128 = arith.mulf %mul3A_127, %mul3A_125 : vector<16xf32>
      %sub3A_129 = arith.subf %gather3A_22, %gather3A_90 : vector<16xf32>
      %abs3A_130 = math.absf %sub3A_129 : vector<16xf32>
      %mul3A_131 = arith.constant 5.000000e-01 : f32
      %mul3A_132 = vector.broadcast %mul3A_131 : f32 to vector<16xf32>
      %mul3A_133 = arith.mulf %mul3A_132, %abs3A_130 : vector<16xf32>
      %add3A_134 = arith.addf %mul3A_128, %mul3A_133 : vector<16xf32>
      %lt3A_135 = arith.cmpf olt, %add3A_134, %select_n3A : vector<16xf32>
      %select_n3A_136 = arith.select %lt3A_135, %add3A_134, %select_n3A : vector<16xi1>, vector<16xf32>
      %broadcast_in_dim3A_137 = arith.constant 1 : i32
      %broadcast_in_dim3A_138 = vector.broadcast %broadcast_in_dim3A_137 : i32 to vector<16xi32>
      %select_n3A_139 = arith.select %lt3A_135, %broadcast_in_dim3A_138, %select_n3A_81 : vector<16xi1>, vector<16xi32>
      %broadcast_in_dim3A_140 = arith.constant 16 : i32
      %broadcast_in_dim3A_141 = vector.broadcast %broadcast_in_dim3A_140 : i32 to vector<16xi32>
      %gather3A_142 = tpu.vector_load_idx %arg5[%broadcast_in_dim3A_141] : memref<144xf32, #tpu.memory_space<vmem>>[vector<16xi32>], vector<16xf32>,
      %broadcast_in_dim3A_143 = arith.constant 17 : i32
      %broadcast_in_dim3A_144 = vector.broadcast %broadcast_in_dim3A_143 : i32 to vector<16xi32>
      %gather3A_145 = tpu.vector_load_idx %arg5[%broadcast_in_dim3A_144] : memref<144xf32, #tpu.memory_space<vmem>>[vector<16xi32>], vector<16xf32>,
      %broadcast_in_dim3A_146 = arith.constant 18 : i32
      %broadcast_in_dim3A_147 = vector.broadcast %broadcast_in_dim3A_146 : i32 to vector<16xi32>
      %gather3A_148 = tpu.vector_load_idx %arg5[%broadcast_in_dim3A_147] : memref<144xf32, #tpu.memory_space<vmem>>[vector<16xi32>], vector<16xf32>,
      %sub3A_149 = arith.subf %gather3A, %gather3A_142 : vector<16xf32>
      %sub3A_150 = arith.subf %gather3A_18, %gather3A_145 : vector<16xf32>
      %mul3A_151 = arith.mulf %sub3A_149, %sub3A_149 : vector<16xf32>
      %mul3A_152 = arith.mulf %sub3A_150, %sub3A_150 : vector<16xf32>
      %add3A_153 = arith.addf %mul3A_151, %mul3A_152 : vector<16xf32>
      %bitcast3A_154 = vector.bitcast %add3A_153 : vector<16xf32> to vector<16xi32>
      %shift_right_logical3A_155 = arith.constant 1 : i32
      %shift_right_logical3A_156 = vector.broadcast %shift_right_logical3A_155 : i32 to vector<16xi32>
      %shift_right_logical3A_157 = arith.shrui %bitcast3A_154, %shift_right_logical3A_156 : vector<16xi32>
      %sub3A_158 = arith.constant 1597463007 : i32
      %sub3A_159 = vector.broadcast %sub3A_158 : i32 to vector<16xi32>
      %sub3A_160 = arith.subi %sub3A_159, %shift_right_logical3A_157 : vector<16xi32>
      %bitcast3A_161 = vector.bitcast %sub3A_160 : vector<16xi32> to vector<16xf32>
      %mul3A_162 = arith.constant 5.000000e-01 : f32
      %mul3A_163 = vector.broadcast %mul3A_162 : f32 to vector<16xf32>
      %mul3A_164 = arith.mulf %mul3A_163, %add3A_153 : vector<16xf32>
      %mul3A_165 = arith.mulf %mul3A_164, %bitcast3A_161 : vector<16xf32>
      %mul3A_166 = arith.mulf %mul3A_165, %bitcast3A_161 : vector<16xf32>
      %sub3A_167 = arith.constant 1.500000e+00 : f32
      %sub3A_168 = vector.broadcast %sub3A_167 : f32 to vector<16xf32>
      %sub3A_169 = arith.subf %sub3A_168, %mul3A_166 : vector<16xf32>
      %mul3A_170 = arith.mulf %bitcast3A_161, %sub3A_169 : vector<16xf32>
      %mul3A_171 = arith.mulf %mul3A_164, %mul3A_170 : vector<16xf32>
      %mul3A_172 = arith.mulf %mul3A_171, %mul3A_170 : vector<16xf32>
      %sub3A_173 = arith.constant 1.500000e+00 : f32
      %sub3A_174 = vector.broadcast %sub3A_173 : f32 to vector<16xf32>
      %sub3A_175 = arith.subf %sub3A_174, %mul3A_172 : vector<16xf32>
      %mul3A_176 = arith.mulf %mul3A_170, %sub3A_175 : vector<16xf32>
      %mul3A_177 = arith.mulf %mul3A_164, %mul3A_176 : vector<16xf32>
      %mul3A_178 = arith.mulf %mul3A_177, %mul3A_176 : vector<16xf32>
      %sub3A_179 = arith.constant 1.500000e+00 : f32
      %sub3A_180 = vector.broadcast %sub3A_179 : f32 to vector<16xf32>
      %sub3A_181 = arith.subf %sub3A_180, %mul3A_178 : vector<16xf32>
      %mul3A_182 = arith.mulf %mul3A_176, %sub3A_181 : vector<16xf32>
      %mul3A_183 = arith.mulf %add3A_153, %mul3A_182 : vector<16xf32>
      %mul3A_184 = arith.constant 5.000000e-01 : f32
      %mul3A_185 = vector.broadcast %mul3A_184 : f32 to vector<16xf32>
      %mul3A_186 = arith.mulf %mul3A_185, %mul3A_183 : vector<16xf32>
      %sub3A_187 = arith.subf %gather3A_22, %gather3A_148 : vector<16xf32>
      %abs3A_188 = math.absf %sub3A_187 : vector<16xf32>
      %mul3A_189 = arith.constant 5.000000e-01 : f32
      %mul3A_190 = vector.broadcast %mul3A_189 : f32 to vector<16xf32>
      %mul3A_191 = arith.mulf %mul3A_190, %abs3A_188 : vector<16xf32>
      %add3A_192 = arith.addf %mul3A_186, %mul3A_191 : vector<16xf32>
      %lt3A_193 = arith.cmpf olt, %add3A_192, %select_n3A_136 : vector<16xf32>
      %select_n3A_194 = arith.select %lt3A_193, %add3A_192, %select_n3A_136 : vector<16xi1>, vector<16xf32>
      %broadcast_in_dim3A_195 = arith.constant 2 : i32
      %broadcast_in_dim3A_196 = vector.broadcast %broadcast_in_dim3A_195 : i32 to vector<16xi32>
      %select_n3A_197 = arith.select %lt3A_193, %broadcast_in_dim3A_196, %select_n3A_139 : vector<16xi1>, vector<16xi32>
      %broadcast_in_dim3A_198 = arith.constant 20 : i32
      %broadcast_in_dim3A_199 = vector.broadcast %broadcast_in_dim3A_198 : i32 to vector<16xi32>
      %gather3A_200 = tpu.vector_load_idx %arg5[%broadcast_in_dim3A_199] : memref<144xf32, #tpu.memory_space<vmem>>[vector<16xi32>], vector<16xf32>,
      %broadcast_in_dim3A_201 = arith.constant 21 : i32
      %broadcast_in_dim3A_202 = vector.broadcast %broadcast_in_dim3A_201 : i32 to vector<16xi32>
      %gather3A_203 = tpu.vector_load_idx %arg5[%broadcast_in_dim3A_202] : memref<144xf32, #tpu.memory_space<vmem>>[vector<16xi32>], vector<16xf32>,
      %broadcast_in_dim3A_204 = arith.constant 22 : i32
      %broadcast_in_dim3A_205 = vector.broadcast %broadcast_in_dim3A_204 : i32 to vector<16xi32>
      %gather3A_206 = tpu.vector_load_idx %arg5[%broadcast_in_dim3A_205] : memref<144xf32, #tpu.memory_space<vmem>>[vector<16xi32>], vector<16xf32>,
      %sub3A_207 = arith.subf %gather3A, %gather3A_200 : vector<16xf32>
      %sub3A_208 = arith.subf %gather3A_18, %gather3A_203 : vector<16xf32>
      %mul3A_209 = arith.mulf %sub3A_207, %sub3A_207 : vector<16xf32>
      %mul3A_210 = arith.mulf %sub3A_208, %sub3A_208 : vector<16xf32>
      %add3A_211 = arith.addf %mul3A_209, %mul3A_210 : vector<16xf32>
      %bitcast3A_212 = vector.bitcast %add3A_211 : vector<16xf32> to vector<16xi32>
      %shift_right_logical3A_213 = arith.constant 1 : i32
      %shift_right_logical3A_214 = vector.broadcast %shift_right_logical3A_213 : i32 to vector<16xi32>
      %shift_right_logical3A_215 = arith.shrui %bitcast3A_212, %shift_right_logical3A_214 : vector<16xi32>
      %sub3A_216 = arith.constant 1597463007 : i32
      %sub3A_217 = vector.broadcast %sub3A_216 : i32 to vector<16xi32>
      %sub3A_218 = arith.subi %sub3A_217, %shift_right_logical3A_215 : vector<16xi32>
      %bitcast3A_219 = vector.bitcast %sub3A_218 : vector<16xi32> to vector<16xf32>
      %mul3A_220 = arith.constant 5.000000e-01 : f32
      %mul3A_221 = vector.broadcast %mul3A_220 : f32 to vector<16xf32>
      %mul3A_222 = arith.mulf %mul3A_221, %add3A_211 : vector<16xf32>
      %mul3A_223 = arith.mulf %mul3A_222, %bitcast3A_219 : vector<16xf32>
      %mul3A_224 = arith.mulf %mul3A_223, %bitcast3A_219 : vector<16xf32>
      %sub3A_225 = arith.constant 1.500000e+00 : f32
      %sub3A_226 = vector.broadcast %sub3A_225 : f32 to vector<16xf32>
      %sub3A_227 = arith.subf %sub3A_226, %mul3A_224 : vector<16xf32>
      %mul3A_228 = arith.mulf %bitcast3A_219, %sub3A_227 : vector<16xf32>
      %mul3A_229 = arith.mulf %mul3A_222, %mul3A_228 : vector<16xf32>
      %mul3A_230 = arith.mulf %mul3A_229, %mul3A_228 : vector<16xf32>
      %sub3A_231 = arith.constant 1.500000e+00 : f32
      %sub3A_232 = vector.broadcast %sub3A_231 : f32 to vector<16xf32>
      %sub3A_233 = arith.subf %sub3A_232, %mul3A_230 : vector<16xf32>
      %mul3A_234 = arith.mulf %mul3A_228, %sub3A_233 : vector<16xf32>
      %mul3A_235 = arith.mulf %mul3A_222, %mul3A_234 : vector<16xf32>
      %mul3A_236 = arith.mulf %mul3A_235, %mul3A_234 : vector<16xf32>
      %sub3A_237 = arith.constant 1.500000e+00 : f32
      %sub3A_238 = vector.broadcast %sub3A_237 : f32 to vector<16xf32>
      %sub3A_239 = arith.subf %sub3A_238, %mul3A_236 : vector<16xf32>
      %mul3A_240 = arith.mulf %mul3A_234, %sub3A_239 : vector<16xf32>
      %mul3A_241 = arith.mulf %add3A_211, %mul3A_240 : vector<16xf32>
      %mul3A_242 = arith.constant 5.000000e-01 : f32
      %mul3A_243 = vector.broadcast %mul3A_242 : f32 to vector<16xf32>
      %mul3A_244 = arith.mulf %mul3A_243, %mul3A_241 : vector<16xf32>
      %sub3A_245 = arith.subf %gather3A_22, %gather3A_206 : vector<16xf32>
      %abs3A_246 = math.absf %sub3A_245 : vector<16xf32>
      %mul3A_247 = arith.constant 5.000000e-01 : f32
      %mul3A_248 = vector.broadcast %mul3A_247 : f32 to vector<16xf32>
      %mul3A_249 = arith.mulf %mul3A_248, %abs3A_246 : vector<16xf32>
      %add3A_250 = arith.addf %mul3A_244, %mul3A_249 : vector<16xf32>
      %lt3A_251 = arith.cmpf olt, %add3A_250, %select_n3A_194 : vector<16xf32>
      %select_n3A_252 = arith.select %lt3A_251, %add3A_250, %select_n3A_194 : vector<16xi1>, vector<16xf32>
      %broadcast_in_dim3A_253 = arith.constant 3 : i32
      %broadcast_in_dim3A_254 = vector.broadcast %broadcast_in_dim3A_253 : i32 to vector<16xi32>
      %select_n3A_255 = arith.select %lt3A_251, %broadcast_in_dim3A_254, %select_n3A_197 : vector<16xi1>, vector<16xi32>
      %broadcast_in_dim3A_256 = arith.constant 24 : i32
      %broadcast_in_dim3A_257 = vector.broadcast %broadcast_in_dim3A_256 : i32 to vector<16xi32>
      %gather3A_258 = tpu.vector_load_idx %arg5[%broadcast_in_dim3A_257] : memref<144xf32, #tpu.memory_space<vmem>>[vector<16xi32>], vector<16xf32>,
      %broadcast_in_dim3A_259 = arith.constant 25 : i32
      %broadcast_in_dim3A_260 = vector.broadcast %broadcast_in_dim3A_259 : i32 to vector<16xi32>
      %gather3A_261 = tpu.vector_load_idx %arg5[%broadcast_in_dim3A_260] : memref<144xf32, #tpu.memory_space<vmem>>[vector<16xi32>], vector<16xf32>,
      %broadcast_in_dim3A_262 = arith.constant 26 : i32
      %broadcast_in_dim3A_263 = vector.broadcast %broadcast_in_dim3A_262 : i32 to vector<16xi32>
      %gather3A_264 = tpu.vector_load_idx %arg5[%broadcast_in_dim3A_263] : memref<144xf32, #tpu.memory_space<vmem>>[vector<16xi32>], vector<16xf32>,
      %sub3A_265 = arith.subf %gather3A, %gather3A_258 : vector<16xf32>
      %sub3A_266 = arith.subf %gather3A_18, %gather3A_261 : vector<16xf32>
      %mul3A_267 = arith.mulf %sub3A_265, %sub3A_265 : vector<16xf32>
      %mul3A_268 = arith.mulf %sub3A_266, %sub3A_266 : vector<16xf32>
      %add3A_269 = arith.addf %mul3A_267, %mul3A_268 : vector<16xf32>
      %bitcast3A_270 = vector.bitcast %add3A_269 : vector<16xf32> to vector<16xi32>
      %shift_right_logical3A_271 = arith.constant 1 : i32
      %shift_right_logical3A_272 = vector.broadcast %shift_right_logical3A_271 : i32 to vector<16xi32>
      %shift_right_logical3A_273 = arith.shrui %bitcast3A_270, %shift_right_logical3A_272 : vector<16xi32>
      %sub3A_274 = arith.constant 1597463007 : i32
      %sub3A_275 = vector.broadcast %sub3A_274 : i32 to vector<16xi32>
      %sub3A_276 = arith.subi %sub3A_275, %shift_right_logical3A_273 : vector<16xi32>
      %bitcast3A_277 = vector.bitcast %sub3A_276 : vector<16xi32> to vector<16xf32>
      %mul3A_278 = arith.constant 5.000000e-01 : f32
      %mul3A_279 = vector.broadcast %mul3A_278 : f32 to vector<16xf32>
      %mul3A_280 = arith.mulf %mul3A_279, %add3A_269 : vector<16xf32>
      %mul3A_281 = arith.mulf %mul3A_280, %bitcast3A_277 : vector<16xf32>
      %mul3A_282 = arith.mulf %mul3A_281, %bitcast3A_277 : vector<16xf32>
      %sub3A_283 = arith.constant 1.500000e+00 : f32
      %sub3A_284 = vector.broadcast %sub3A_283 : f32 to vector<16xf32>
      %sub3A_285 = arith.subf %sub3A_284, %mul3A_282 : vector<16xf32>
      %mul3A_286 = arith.mulf %bitcast3A_277, %sub3A_285 : vector<16xf32>
      %mul3A_287 = arith.mulf %mul3A_280, %mul3A_286 : vector<16xf32>
      %mul3A_288 = arith.mulf %mul3A_287, %mul3A_286 : vector<16xf32>
      %sub3A_289 = arith.constant 1.500000e+00 : f32
      %sub3A_290 = vector.broadcast %sub3A_289 : f32 to vector<16xf32>
      %sub3A_291 = arith.subf %sub3A_290, %mul3A_288 : vector<16xf32>
      %mul3A_292 = arith.mulf %mul3A_286, %sub3A_291 : vector<16xf32>
      %mul3A_293 = arith.mulf %mul3A_280, %mul3A_292 : vector<16xf32>
      %mul3A_294 = arith.mulf %mul3A_293, %mul3A_292 : vector<16xf32>
      %sub3A_295 = arith.constant 1.500000e+00 : f32
      %sub3A_296 = vector.broadcast %sub3A_295 : f32 to vector<16xf32>
      %sub3A_297 = arith.subf %sub3A_296, %mul3A_294 : vector<16xf32>
      %mul3A_298 = arith.mulf %mul3A_292, %sub3A_297 : vector<16xf32>
      %mul3A_299 = arith.mulf %add3A_269, %mul3A_298 : vector<16xf32>
      %mul3A_300 = arith.constant 5.000000e-01 : f32
      %mul3A_301 = vector.broadcast %mul3A_300 : f32 to vector<16xf32>
      %mul3A_302 = arith.mulf %mul3A_301, %mul3A_299 : vector<16xf32>
      %sub3A_303 = arith.subf %gather3A_22, %gather3A_264 : vector<16xf32>
      %abs3A_304 = math.absf %sub3A_303 : vector<16xf32>
      %mul3A_305 = arith.constant 5.000000e-01 : f32
      %mul3A_306 = vector.broadcast %mul3A_305 : f32 to vector<16xf32>
      %mul3A_307 = arith.mulf %mul3A_306, %abs3A_304 : vector<16xf32>
      %add3A_308 = arith.addf %mul3A_302, %mul3A_307 : vector<16xf32>
      %lt3A_309 = arith.cmpf olt, %add3A_308, %select_n3A_252 : vector<16xf32>
      %select_n3A_310 = arith.select %lt3A_309, %add3A_308, %select_n3A_252 : vector<16xi1>, vector<16xf32>
      %broadcast_in_dim3A_311 = arith.constant 4 : i32
      %broadcast_in_dim3A_312 = vector.broadcast %broadcast_in_dim3A_311 : i32 to vector<16xi32>
      %select_n3A_313 = arith.select %lt3A_309, %broadcast_in_dim3A_312, %select_n3A_255 : vector<16xi1>, vector<16xi32>
      %broadcast_in_dim3A_314 = arith.constant 28 : i32
      %broadcast_in_dim3A_315 = vector.broadcast %broadcast_in_dim3A_314 : i32 to vector<16xi32>
      %gather3A_316 = tpu.vector_load_idx %arg5[%broadcast_in_dim3A_315] : memref<144xf32, #tpu.memory_space<vmem>>[vector<16xi32>], vector<16xf32>,
      %broadcast_in_dim3A_317 = arith.constant 29 : i32
      %broadcast_in_dim3A_318 = vector.broadcast %broadcast_in_dim3A_317 : i32 to vector<16xi32>
      %gather3A_319 = tpu.vector_load_idx %arg5[%broadcast_in_dim3A_318] : memref<144xf32, #tpu.memory_space<vmem>>[vector<16xi32>], vector<16xf32>,
      %broadcast_in_dim3A_320 = arith.constant 30 : i32
      %broadcast_in_dim3A_321 = vector.broadcast %broadcast_in_dim3A_320 : i32 to vector<16xi32>
      %gather3A_322 = tpu.vector_load_idx %arg5[%broadcast_in_dim3A_321] : memref<144xf32, #tpu.memory_space<vmem>>[vector<16xi32>], vector<16xf32>,
      %sub3A_323 = arith.subf %gather3A, %gather3A_316 : vector<16xf32>
      %sub3A_324 = arith.subf %gather3A_18, %gather3A_319 : vector<16xf32>
      %mul3A_325 = arith.mulf %sub3A_323, %sub3A_323 : vector<16xf32>
      %mul3A_326 = arith.mulf %sub3A_324, %sub3A_324 : vector<16xf32>
      %add3A_327 = arith.addf %mul3A_325, %mul3A_326 : vector<16xf32>
      %bitcast3A_328 = vector.bitcast %add3A_327 : vector<16xf32> to vector<16xi32>
      %shift_right_logical3A_329 = arith.constant 1 : i32
      %shift_right_logical3A_330 = vector.broadcast %shift_right_logical3A_329 : i32 to vector<16xi32>
      %shift_right_logical3A_331 = arith.shrui %bitcast3A_328, %shift_right_logical3A_330 : vector<16xi32>
      %sub3A_332 = arith.constant 1597463007 : i32
      %sub3A_333 = vector.broadcast %sub3A_332 : i32 to vector<16xi32>
      %sub3A_334 = arith.subi %sub3A_333, %shift_right_logical3A_331 : vector<16xi32>
      %bitcast3A_335 = vector.bitcast %sub3A_334 : vector<16xi32> to vector<16xf32>
      %mul3A_336 = arith.constant 5.000000e-01 : f32
      %mul3A_337 = vector.broadcast %mul3A_336 : f32 to vector<16xf32>
      %mul3A_338 = arith.mulf %mul3A_337, %add3A_327 : vector<16xf32>
      %mul3A_339 = arith.mulf %mul3A_338, %bitcast3A_335 : vector<16xf32>
      %mul3A_340 = arith.mulf %mul3A_339, %bitcast3A_335 : vector<16xf32>
      %sub3A_341 = arith.constant 1.500000e+00 : f32
      %sub3A_342 = vector.broadcast %sub3A_341 : f32 to vector<16xf32>
      %sub3A_343 = arith.subf %sub3A_342, %mul3A_340 : vector<16xf32>
      %mul3A_344 = arith.mulf %bitcast3A_335, %sub3A_343 : vector<16xf32>
      %mul3A_345 = arith.mulf %mul3A_338, %mul3A_344 : vector<16xf32>
      %mul3A_346 = arith.mulf %mul3A_345, %mul3A_344 : vector<16xf32>
      %sub3A_347 = arith.constant 1.500000e+00 : f32
      %sub3A_348 = vector.broadcast %sub3A_347 : f32 to vector<16xf32>
      %sub3A_349 = arith.subf %sub3A_348, %mul3A_346 : vector<16xf32>
      %mul3A_350 = arith.mulf %mul3A_344, %sub3A_349 : vector<16xf32>
      %mul3A_351 = arith.mulf %mul3A_338, %mul3A_350 : vector<16xf32>
      %mul3A_352 = arith.mulf %mul3A_351, %mul3A_350 : vector<16xf32>
      %sub3A_353 = arith.constant 1.500000e+00 : f32
      %sub3A_354 = vector.broadcast %sub3A_353 : f32 to vector<16xf32>
      %sub3A_355 = arith.subf %sub3A_354, %mul3A_352 : vector<16xf32>
      %mul3A_356 = arith.mulf %mul3A_350, %sub3A_355 : vector<16xf32>
      %mul3A_357 = arith.mulf %add3A_327, %mul3A_356 : vector<16xf32>
      %mul3A_358 = arith.constant 5.000000e-01 : f32
      %mul3A_359 = vector.broadcast %mul3A_358 : f32 to vector<16xf32>
      %mul3A_360 = arith.mulf %mul3A_359, %mul3A_357 : vector<16xf32>
      %sub3A_361 = arith.subf %gather3A_22, %gather3A_322 : vector<16xf32>
      %abs3A_362 = math.absf %sub3A_361 : vector<16xf32>
      %mul3A_363 = arith.constant 5.000000e-01 : f32
      %mul3A_364 = vector.broadcast %mul3A_363 : f32 to vector<16xf32>
      %mul3A_365 = arith.mulf %mul3A_364, %abs3A_362 : vector<16xf32>
      %add3A_366 = arith.addf %mul3A_360, %mul3A_365 : vector<16xf32>
      %lt3A_367 = arith.cmpf olt, %add3A_366, %select_n3A_310 : vector<16xf32>
      %select_n3A_368 = arith.select %lt3A_367, %add3A_366, %select_n3A_310 : vector<16xi1>, vector<16xf32>
      %broadcast_in_dim3A_369 = arith.constant 5 : i32
      %broadcast_in_dim3A_370 = vector.broadcast %broadcast_in_dim3A_369 : i32 to vector<16xi32>
      %select_n3A_371 = arith.select %lt3A_367, %broadcast_in_dim3A_370, %select_n3A_313 : vector<16xi1>, vector<16xi32>
      %broadcast_in_dim3A_372 = arith.constant 32 : i32
      %broadcast_in_dim3A_373 = vector.broadcast %broadcast_in_dim3A_372 : i32 to vector<16xi32>
      %gather3A_374 = tpu.vector_load_idx %arg5[%broadcast_in_dim3A_373] : memref<144xf32, #tpu.memory_space<vmem>>[vector<16xi32>], vector<16xf32>,
      %broadcast_in_dim3A_375 = arith.constant 33 : i32
      %broadcast_in_dim3A_376 = vector.broadcast %broadcast_in_dim3A_375 : i32 to vector<16xi32>
      %gather3A_377 = tpu.vector_load_idx %arg5[%broadcast_in_dim3A_376] : memref<144xf32, #tpu.memory_space<vmem>>[vector<16xi32>], vector<16xf32>,
      %broadcast_in_dim3A_378 = arith.constant 34 : i32
      %broadcast_in_dim3A_379 = vector.broadcast %broadcast_in_dim3A_378 : i32 to vector<16xi32>
      %gather3A_380 = tpu.vector_load_idx %arg5[%broadcast_in_dim3A_379] : memref<144xf32, #tpu.memory_space<vmem>>[vector<16xi32>], vector<16xf32>,
      %sub3A_381 = arith.subf %gather3A, %gather3A_374 : vector<16xf32>
      %sub3A_382 = arith.subf %gather3A_18, %gather3A_377 : vector<16xf32>
      %mul3A_383 = arith.mulf %sub3A_381, %sub3A_381 : vector<16xf32>
      %mul3A_384 = arith.mulf %sub3A_382, %sub3A_382 : vector<16xf32>
      %add3A_385 = arith.addf %mul3A_383, %mul3A_384 : vector<16xf32>
      %bitcast3A_386 = vector.bitcast %add3A_385 : vector<16xf32> to vector<16xi32>
      %shift_right_logical3A_387 = arith.constant 1 : i32
      %shift_right_logical3A_388 = vector.broadcast %shift_right_logical3A_387 : i32 to vector<16xi32>
      %shift_right_logical3A_389 = arith.shrui %bitcast3A_386, %shift_right_logical3A_388 : vector<16xi32>
      %sub3A_390 = arith.constant 1597463007 : i32
      %sub3A_391 = vector.broadcast %sub3A_390 : i32 to vector<16xi32>
      %sub3A_392 = arith.subi %sub3A_391, %shift_right_logical3A_389 : vector<16xi32>
      %bitcast3A_393 = vector.bitcast %sub3A_392 : vector<16xi32> to vector<16xf32>
      %mul3A_394 = arith.constant 5.000000e-01 : f32
      %mul3A_395 = vector.broadcast %mul3A_394 : f32 to vector<16xf32>
      %mul3A_396 = arith.mulf %mul3A_395, %add3A_385 : vector<16xf32>
      %mul3A_397 = arith.mulf %mul3A_396, %bitcast3A_393 : vector<16xf32>
      %mul3A_398 = arith.mulf %mul3A_397, %bitcast3A_393 : vector<16xf32>
      %sub3A_399 = arith.constant 1.500000e+00 : f32
      %sub3A_400 = vector.broadcast %sub3A_399 : f32 to vector<16xf32>
      %sub3A_401 = arith.subf %sub3A_400, %mul3A_398 : vector<16xf32>
      %mul3A_402 = arith.mulf %bitcast3A_393, %sub3A_401 : vector<16xf32>
      %mul3A_403 = arith.mulf %mul3A_396, %mul3A_402 : vector<16xf32>
      %mul3A_404 = arith.mulf %mul3A_403, %mul3A_402 : vector<16xf32>
      %sub3A_405 = arith.constant 1.500000e+00 : f32
      %sub3A_406 = vector.broadcast %sub3A_405 : f32 to vector<16xf32>
      %sub3A_407 = arith.subf %sub3A_406, %mul3A_404 : vector<16xf32>
      %mul3A_408 = arith.mulf %mul3A_402, %sub3A_407 : vector<16xf32>
      %mul3A_409 = arith.mulf %mul3A_396, %mul3A_408 : vector<16xf32>
      %mul3A_410 = arith.mulf %mul3A_409, %mul3A_408 : vector<16xf32>
      %sub3A_411 = arith.constant 1.500000e+00 : f32
      %sub3A_412 = vector.broadcast %sub3A_411 : f32 to vector<16xf32>
      %sub3A_413 = arith.subf %sub3A_412, %mul3A_410 : vector<16xf32>
      %mul3A_414 = arith.mulf %mul3A_408, %sub3A_413 : vector<16xf32>
      %mul3A_415 = arith.mulf %add3A_385, %mul3A_414 : vector<16xf32>
      %mul3A_416 = arith.constant 5.000000e-01 : f32
      %mul3A_417 = vector.broadcast %mul3A_416 : f32 to vector<16xf32>
      %mul3A_418 = arith.mulf %mul3A_417, %mul3A_415 : vector<16xf32>
      %sub3A_419 = arith.subf %gather3A_22, %gather3A_380 : vector<16xf32>
      %abs3A_420 = math.absf %sub3A_419 : vector<16xf32>
      %mul3A_421 = arith.constant 5.000000e-01 : f32
      %mul3A_422 = vector.broadcast %mul3A_421 : f32 to vector<16xf32>
      %mul3A_423 = arith.mulf %mul3A_422, %abs3A_420 : vector<16xf32>
      %add3A_424 = arith.addf %mul3A_418, %mul3A_423 : vector<16xf32>
      %lt3A_425 = arith.cmpf olt, %add3A_424, %select_n3A_368 : vector<16xf32>
      %select_n3A_426 = arith.select %lt3A_425, %add3A_424, %select_n3A_368 : vector<16xi1>, vector<16xf32>
      %broadcast_in_dim3A_427 = arith.constant 6 : i32
      %broadcast_in_dim3A_428 = vector.broadcast %broadcast_in_dim3A_427 : i32 to vector<16xi32>
      %select_n3A_429 = arith.select %lt3A_425, %broadcast_in_dim3A_428, %select_n3A_371 : vector<16xi1>, vector<16xi32>
      %broadcast_in_dim3A_430 = arith.constant 36 : i32
      %broadcast_in_dim3A_431 = vector.broadcast %broadcast_in_dim3A_430 : i32 to vector<16xi32>
      %gather3A_432 = tpu.vector_load_idx %arg5[%broadcast_in_dim3A_431] : memref<144xf32, #tpu.memory_space<vmem>>[vector<16xi32>], vector<16xf32>,
      %broadcast_in_dim3A_433 = arith.constant 37 : i32
      %broadcast_in_dim3A_434 = vector.broadcast %broadcast_in_dim3A_433 : i32 to vector<16xi32>
      %gather3A_435 = tpu.vector_load_idx %arg5[%broadcast_in_dim3A_434] : memref<144xf32, #tpu.memory_space<vmem>>[vector<16xi32>], vector<16xf32>,
      %broadcast_in_dim3A_436 = arith.constant 38 : i32
      %broadcast_in_dim3A_437 = vector.broadcast %broadcast_in_dim3A_436 : i32 to vector<16xi32>
      %gather3A_438 = tpu.vector_load_idx %arg5[%broadcast_in_dim3A_437] : memref<144xf32, #tpu.memory_space<vmem>>[vector<16xi32>], vector<16xf32>,
      %sub3A_439 = arith.subf %gather3A, %gather3A_432 : vector<16xf32>
      %sub3A_440 = arith.subf %gather3A_18, %gather3A_435 : vector<16xf32>
      %mul3A_441 = arith.mulf %sub3A_439, %sub3A_439 : vector<16xf32>
      %mul3A_442 = arith.mulf %sub3A_440, %sub3A_440 : vector<16xf32>
      %add3A_443 = arith.addf %mul3A_441, %mul3A_442 : vector<16xf32>
      %bitcast3A_444 = vector.bitcast %add3A_443 : vector<16xf32> to vector<16xi32>
      %shift_right_logical3A_445 = arith.constant 1 : i32
      %shift_right_logical3A_446 = vector.broadcast %shift_right_logical3A_445 : i32 to vector<16xi32>
      %shift_right_logical3A_447 = arith.shrui %bitcast3A_444, %shift_right_logical3A_446 : vector<16xi32>
      %sub3A_448 = arith.constant 1597463007 : i32
      %sub3A_449 = vector.broadcast %sub3A_448 : i32 to vector<16xi32>
      %sub3A_450 = arith.subi %sub3A_449, %shift_right_logical3A_447 : vector<16xi32>
      %bitcast3A_451 = vector.bitcast %sub3A_450 : vector<16xi32> to vector<16xf32>
      %mul3A_452 = arith.constant 5.000000e-01 : f32
      %mul3A_453 = vector.broadcast %mul3A_452 : f32 to vector<16xf32>
      %mul3A_454 = arith.mulf %mul3A_453, %add3A_443 : vector<16xf32>
      %mul3A_455 = arith.mulf %mul3A_454, %bitcast3A_451 : vector<16xf32>
      %mul3A_456 = arith.mulf %mul3A_455, %bitcast3A_451 : vector<16xf32>
      %sub3A_457 = arith.constant 1.500000e+00 : f32
      %sub3A_458 = vector.broadcast %sub3A_457 : f32 to vector<16xf32>
      %sub3A_459 = arith.subf %sub3A_458, %mul3A_456 : vector<16xf32>
      %mul3A_460 = arith.mulf %bitcast3A_451, %sub3A_459 : vector<16xf32>
      %mul3A_461 = arith.mulf %mul3A_454, %mul3A_460 : vector<16xf32>
      %mul3A_462 = arith.mulf %mul3A_461, %mul3A_460 : vector<16xf32>
      %sub3A_463 = arith.constant 1.500000e+00 : f32
      %sub3A_464 = vector.broadcast %sub3A_463 : f32 to vector<16xf32>
      %sub3A_465 = arith.subf %sub3A_464, %mul3A_462 : vector<16xf32>
      %mul3A_466 = arith.mulf %mul3A_460, %sub3A_465 : vector<16xf32>
      %mul3A_467 = arith.mulf %mul3A_454, %mul3A_466 : vector<16xf32>
      %mul3A_468 = arith.mulf %mul3A_467, %mul3A_466 : vector<16xf32>
      %sub3A_469 = arith.constant 1.500000e+00 : f32
      %sub3A_470 = vector.broadcast %sub3A_469 : f32 to vector<16xf32>
      %sub3A_471 = arith.subf %sub3A_470, %mul3A_468 : vector<16xf32>
      %mul3A_472 = arith.mulf %mul3A_466, %sub3A_471 : vector<16xf32>
      %mul3A_473 = arith.mulf %add3A_443, %mul3A_472 : vector<16xf32>
      %mul3A_474 = arith.constant 5.000000e-01 : f32
      %mul3A_475 = vector.broadcast %mul3A_474 : f32 to vector<16xf32>
      %mul3A_476 = arith.mulf %mul3A_475, %mul3A_473 : vector<16xf32>
      %sub3A_477 = arith.subf %gather3A_22, %gather3A_438 : vector<16xf32>
      %abs3A_478 = math.absf %sub3A_477 : vector<16xf32>
      %mul3A_479 = arith.constant 5.000000e-01 : f32
      %mul3A_480 = vector.broadcast %mul3A_479 : f32 to vector<16xf32>
      %mul3A_481 = arith.mulf %mul3A_480, %abs3A_478 : vector<16xf32>
      %add3A_482 = arith.addf %mul3A_476, %mul3A_481 : vector<16xf32>
      %lt3A_483 = arith.cmpf olt, %add3A_482, %select_n3A_426 : vector<16xf32>
      %select_n3A_484 = arith.select %lt3A_483, %add3A_482, %select_n3A_426 : vector<16xi1>, vector<16xf32>
      %broadcast_in_dim3A_485 = arith.constant 7 : i32
      %broadcast_in_dim3A_486 = vector.broadcast %broadcast_in_dim3A_485 : i32 to vector<16xi32>
      %select_n3A_487 = arith.select %lt3A_483, %broadcast_in_dim3A_486, %select_n3A_429 : vector<16xi1>, vector<16xi32>
      %broadcast_in_dim3A_488 = arith.constant 40 : i32
      %broadcast_in_dim3A_489 = vector.broadcast %broadcast_in_dim3A_488 : i32 to vector<16xi32>
      %gather3A_490 = tpu.vector_load_idx %arg5[%broadcast_in_dim3A_489] : memref<144xf32, #tpu.memory_space<vmem>>[vector<16xi32>], vector<16xf32>,
      %broadcast_in_dim3A_491 = arith.constant 41 : i32
      %broadcast_in_dim3A_492 = vector.broadcast %broadcast_in_dim3A_491 : i32 to vector<16xi32>
      %gather3A_493 = tpu.vector_load_idx %arg5[%broadcast_in_dim3A_492] : memref<144xf32, #tpu.memory_space<vmem>>[vector<16xi32>], vector<16xf32>,
      %broadcast_in_dim3A_494 = arith.constant 42 : i32
      %broadcast_in_dim3A_495 = vector.broadcast %broadcast_in_dim3A_494 : i32 to vector<16xi32>
      %gather3A_496 = tpu.vector_load_idx %arg5[%broadcast_in_dim3A_495] : memref<144xf32, #tpu.memory_space<vmem>>[vector<16xi32>], vector<16xf32>,
      %sub3A_497 = arith.subf %gather3A, %gather3A_490 : vector<16xf32>
      %sub3A_498 = arith.subf %gather3A_18, %gather3A_493 : vector<16xf32>
      %mul3A_499 = arith.mulf %sub3A_497, %sub3A_497 : vector<16xf32>
      %mul3A_500 = arith.mulf %sub3A_498, %sub3A_498 : vector<16xf32>
      %add3A_501 = arith.addf %mul3A_499, %mul3A_500 : vector<16xf32>
      %bitcast3A_502 = vector.bitcast %add3A_501 : vector<16xf32> to vector<16xi32>
      %shift_right_logical3A_503 = arith.constant 1 : i32
      %shift_right_logical3A_504 = vector.broadcast %shift_right_logical3A_503 : i32 to vector<16xi32>
      %shift_right_logical3A_505 = arith.shrui %bitcast3A_502, %shift_right_logical3A_504 : vector<16xi32>
      %sub3A_506 = arith.constant 1597463007 : i32
      %sub3A_507 = vector.broadcast %sub3A_506 : i32 to vector<16xi32>
      %sub3A_508 = arith.subi %sub3A_507, %shift_right_logical3A_505 : vector<16xi32>
      %bitcast3A_509 = vector.bitcast %sub3A_508 : vector<16xi32> to vector<16xf32>
      %mul3A_510 = arith.constant 5.000000e-01 : f32
      %mul3A_511 = vector.broadcast %mul3A_510 : f32 to vector<16xf32>
      %mul3A_512 = arith.mulf %mul3A_511, %add3A_501 : vector<16xf32>
      %mul3A_513 = arith.mulf %mul3A_512, %bitcast3A_509 : vector<16xf32>
      %mul3A_514 = arith.mulf %mul3A_513, %bitcast3A_509 : vector<16xf32>
      %sub3A_515 = arith.constant 1.500000e+00 : f32
      %sub3A_516 = vector.broadcast %sub3A_515 : f32 to vector<16xf32>
      %sub3A_517 = arith.subf %sub3A_516, %mul3A_514 : vector<16xf32>
      %mul3A_518 = arith.mulf %bitcast3A_509, %sub3A_517 : vector<16xf32>
      %mul3A_519 = arith.mulf %mul3A_512, %mul3A_518 : vector<16xf32>
      %mul3A_520 = arith.mulf %mul3A_519, %mul3A_518 : vector<16xf32>
      %sub3A_521 = arith.constant 1.500000e+00 : f32
      %sub3A_522 = vector.broadcast %sub3A_521 : f32 to vector<16xf32>
      %sub3A_523 = arith.subf %sub3A_522, %mul3A_520 : vector<16xf32>
      %mul3A_524 = arith.mulf %mul3A_518, %sub3A_523 : vector<16xf32>
      %mul3A_525 = arith.mulf %mul3A_512, %mul3A_524 : vector<16xf32>
      %mul3A_526 = arith.mulf %mul3A_525, %mul3A_524 : vector<16xf32>
      %sub3A_527 = arith.constant 1.500000e+00 : f32
      %sub3A_528 = vector.broadcast %sub3A_527 : f32 to vector<16xf32>
      %sub3A_529 = arith.subf %sub3A_528, %mul3A_526 : vector<16xf32>
      %mul3A_530 = arith.mulf %mul3A_524, %sub3A_529 : vector<16xf32>
      %mul3A_531 = arith.mulf %add3A_501, %mul3A_530 : vector<16xf32>
      %mul3A_532 = arith.constant 5.000000e-01 : f32
      %mul3A_533 = vector.broadcast %mul3A_532 : f32 to vector<16xf32>
      %mul3A_534 = arith.mulf %mul3A_533, %mul3A_531 : vector<16xf32>
      %sub3A_535 = arith.subf %gather3A_22, %gather3A_496 : vector<16xf32>
      %abs3A_536 = math.absf %sub3A_535 : vector<16xf32>
      %mul3A_537 = arith.constant 5.000000e-01 : f32
      %mul3A_538 = vector.broadcast %mul3A_537 : f32 to vector<16xf32>
      %mul3A_539 = arith.mulf %mul3A_538, %abs3A_536 : vector<16xf32>
      %add3A_540 = arith.addf %mul3A_534, %mul3A_539 : vector<16xf32>
      %lt3A_541 = arith.cmpf olt, %add3A_540, %select_n3A_484 : vector<16xf32>
      %select_n3A_542 = arith.select %lt3A_541, %add3A_540, %select_n3A_484 : vector<16xi1>, vector<16xf32>
      %broadcast_in_dim3A_543 = arith.constant 8 : i32
      %broadcast_in_dim3A_544 = vector.broadcast %broadcast_in_dim3A_543 : i32 to vector<16xi32>
      %select_n3A_545 = arith.select %lt3A_541, %broadcast_in_dim3A_544, %select_n3A_487 : vector<16xi1>, vector<16xi32>
      %broadcast_in_dim3A_546 = arith.constant 44 : i32
      %broadcast_in_dim3A_547 = vector.broadcast %broadcast_in_dim3A_546 : i32 to vector<16xi32>
      %gather3A_548 = tpu.vector_load_idx %arg5[%broadcast_in_dim3A_547] : memref<144xf32, #tpu.memory_space<vmem>>[vector<16xi32>], vector<16xf32>,
      %broadcast_in_dim3A_549 = arith.constant 45 : i32
      %broadcast_in_dim3A_550 = vector.broadcast %broadcast_in_dim3A_549 : i32 to vector<16xi32>
      %gather3A_551 = tpu.vector_load_idx %arg5[%broadcast_in_dim3A_550] : memref<144xf32, #tpu.memory_space<vmem>>[vector<16xi32>], vector<16xf32>,
      %broadcast_in_dim3A_552 = arith.constant 46 : i32
      %broadcast_in_dim3A_553 = vector.broadcast %broadcast_in_dim3A_552 : i32 to vector<16xi32>
      %gather3A_554 = tpu.vector_load_idx %arg5[%broadcast_in_dim3A_553] : memref<144xf32, #tpu.memory_space<vmem>>[vector<16xi32>], vector<16xf32>,
      %sub3A_555 = arith.subf %gather3A, %gather3A_548 : vector<16xf32>
      %sub3A_556 = arith.subf %gather3A_18, %gather3A_551 : vector<16xf32>
      %mul3A_557 = arith.mulf %sub3A_555, %sub3A_555 : vector<16xf32>
      %mul3A_558 = arith.mulf %sub3A_556, %sub3A_556 : vector<16xf32>
      %add3A_559 = arith.addf %mul3A_557, %mul3A_558 : vector<16xf32>
      %bitcast3A_560 = vector.bitcast %add3A_559 : vector<16xf32> to vector<16xi32>
      %shift_right_logical3A_561 = arith.constant 1 : i32
      %shift_right_logical3A_562 = vector.broadcast %shift_right_logical3A_561 : i32 to vector<16xi32>
      %shift_right_logical3A_563 = arith.shrui %bitcast3A_560, %shift_right_logical3A_562 : vector<16xi32>
      %sub3A_564 = arith.constant 1597463007 : i32
      %sub3A_565 = vector.broadcast %sub3A_564 : i32 to vector<16xi32>
      %sub3A_566 = arith.subi %sub3A_565, %shift_right_logical3A_563 : vector<16xi32>
      %bitcast3A_567 = vector.bitcast %sub3A_566 : vector<16xi32> to vector<16xf32>
      %mul3A_568 = arith.constant 5.000000e-01 : f32
      %mul3A_569 = vector.broadcast %mul3A_568 : f32 to vector<16xf32>
      %mul3A_570 = arith.mulf %mul3A_569, %add3A_559 : vector<16xf32>
      %mul3A_571 = arith.mulf %mul3A_570, %bitcast3A_567 : vector<16xf32>
      %mul3A_572 = arith.mulf %mul3A_571, %bitcast3A_567 : vector<16xf32>
      %sub3A_573 = arith.constant 1.500000e+00 : f32
      %sub3A_574 = vector.broadcast %sub3A_573 : f32 to vector<16xf32>
      %sub3A_575 = arith.subf %sub3A_574, %mul3A_572 : vector<16xf32>
      %mul3A_576 = arith.mulf %bitcast3A_567, %sub3A_575 : vector<16xf32>
      %mul3A_577 = arith.mulf %mul3A_570, %mul3A_576 : vector<16xf32>
      %mul3A_578 = arith.mulf %mul3A_577, %mul3A_576 : vector<16xf32>
      %sub3A_579 = arith.constant 1.500000e+00 : f32
      %sub3A_580 = vector.broadcast %sub3A_579 : f32 to vector<16xf32>
      %sub3A_581 = arith.subf %sub3A_580, %mul3A_578 : vector<16xf32>
      %mul3A_582 = arith.mulf %mul3A_576, %sub3A_581 : vector<16xf32>
      %mul3A_583 = arith.mulf %mul3A_570, %mul3A_582 : vector<16xf32>
      %mul3A_584 = arith.mulf %mul3A_583, %mul3A_582 : vector<16xf32>
      %sub3A_585 = arith.constant 1.500000e+00 : f32
      %sub3A_586 = vector.broadcast %sub3A_585 : f32 to vector<16xf32>
      %sub3A_587 = arith.subf %sub3A_586, %mul3A_584 : vector<16xf32>
      %mul3A_588 = arith.mulf %mul3A_582, %sub3A_587 : vector<16xf32>
      %mul3A_589 = arith.mulf %add3A_559, %mul3A_588 : vector<16xf32>
      %mul3A_590 = arith.constant 5.000000e-01 : f32
      %mul3A_591 = vector.broadcast %mul3A_590 : f32 to vector<16xf32>
      %mul3A_592 = arith.mulf %mul3A_591, %mul3A_589 : vector<16xf32>
      %sub3A_593 = arith.subf %gather3A_22, %gather3A_554 : vector<16xf32>
      %abs3A_594 = math.absf %sub3A_593 : vector<16xf32>
      %mul3A_595 = arith.constant 5.000000e-01 : f32
      %mul3A_596 = vector.broadcast %mul3A_595 : f32 to vector<16xf32>
      %mul3A_597 = arith.mulf %mul3A_596, %abs3A_594 : vector<16xf32>
      %add3A_598 = arith.addf %mul3A_592, %mul3A_597 : vector<16xf32>
      %lt3A_599 = arith.cmpf olt, %add3A_598, %select_n3A_542 : vector<16xf32>
      %select_n3A_600 = arith.select %lt3A_599, %add3A_598, %select_n3A_542 : vector<16xi1>, vector<16xf32>
      %broadcast_in_dim3A_601 = arith.constant 9 : i32
      %broadcast_in_dim3A_602 = vector.broadcast %broadcast_in_dim3A_601 : i32 to vector<16xi32>
      %select_n3A_603 = arith.select %lt3A_599, %broadcast_in_dim3A_602, %select_n3A_545 : vector<16xi1>, vector<16xi32>
      %broadcast_in_dim3A_604 = arith.constant 48 : i32
      %broadcast_in_dim3A_605 = vector.broadcast %broadcast_in_dim3A_604 : i32 to vector<16xi32>
      %gather3A_606 = tpu.vector_load_idx %arg5[%broadcast_in_dim3A_605] : memref<144xf32, #tpu.memory_space<vmem>>[vector<16xi32>], vector<16xf32>,
      %broadcast_in_dim3A_607 = arith.constant 49 : i32
      %broadcast_in_dim3A_608 = vector.broadcast %broadcast_in_dim3A_607 : i32 to vector<16xi32>
      %gather3A_609 = tpu.vector_load_idx %arg5[%broadcast_in_dim3A_608] : memref<144xf32, #tpu.memory_space<vmem>>[vector<16xi32>], vector<16xf32>,
      %broadcast_in_dim3A_610 = arith.constant 50 : i32
      %broadcast_in_dim3A_611 = vector.broadcast %broadcast_in_dim3A_610 : i32 to vector<16xi32>
      %gather3A_612 = tpu.vector_load_idx %arg5[%broadcast_in_dim3A_611] : memref<144xf32, #tpu.memory_space<vmem>>[vector<16xi32>], vector<16xf32>,
      %sub3A_613 = arith.subf %gather3A, %gather3A_606 : vector<16xf32>
      %sub3A_614 = arith.subf %gather3A_18, %gather3A_609 : vector<16xf32>
      %mul3A_615 = arith.mulf %sub3A_613, %sub3A_613 : vector<16xf32>
      %mul3A_616 = arith.mulf %sub3A_614, %sub3A_614 : vector<16xf32>
      %add3A_617 = arith.addf %mul3A_615, %mul3A_616 : vector<16xf32>
      %bitcast3A_618 = vector.bitcast %add3A_617 : vector<16xf32> to vector<16xi32>
      %shift_right_logical3A_619 = arith.constant 1 : i32
      %shift_right_logical3A_620 = vector.broadcast %shift_right_logical3A_619 : i32 to vector<16xi32>
      %shift_right_logical3A_621 = arith.shrui %bitcast3A_618, %shift_right_logical3A_620 : vector<16xi32>
      %sub3A_622 = arith.constant 1597463007 : i32
      %sub3A_623 = vector.broadcast %sub3A_622 : i32 to vector<16xi32>
      %sub3A_624 = arith.subi %sub3A_623, %shift_right_logical3A_621 : vector<16xi32>
      %bitcast3A_625 = vector.bitcast %sub3A_624 : vector<16xi32> to vector<16xf32>
      %mul3A_626 = arith.constant 5.000000e-01 : f32
      %mul3A_627 = vector.broadcast %mul3A_626 : f32 to vector<16xf32>
      %mul3A_628 = arith.mulf %mul3A_627, %add3A_617 : vector<16xf32>
      %mul3A_629 = arith.mulf %mul3A_628, %bitcast3A_625 : vector<16xf32>
      %mul3A_630 = arith.mulf %mul3A_629, %bitcast3A_625 : vector<16xf32>
      %sub3A_631 = arith.constant 1.500000e+00 : f32
      %sub3A_632 = vector.broadcast %sub3A_631 : f32 to vector<16xf32>
      %sub3A_633 = arith.subf %sub3A_632, %mul3A_630 : vector<16xf32>
      %mul3A_634 = arith.mulf %bitcast3A_625, %sub3A_633 : vector<16xf32>
      %mul3A_635 = arith.mulf %mul3A_628, %mul3A_634 : vector<16xf32>
      %mul3A_636 = arith.mulf %mul3A_635, %mul3A_634 : vector<16xf32>
      %sub3A_637 = arith.constant 1.500000e+00 : f32
      %sub3A_638 = vector.broadcast %sub3A_637 : f32 to vector<16xf32>
      %sub3A_639 = arith.subf %sub3A_638, %mul3A_636 : vector<16xf32>
      %mul3A_640 = arith.mulf %mul3A_634, %sub3A_639 : vector<16xf32>
      %mul3A_641 = arith.mulf %mul3A_628, %mul3A_640 : vector<16xf32>
      %mul3A_642 = arith.mulf %mul3A_641, %mul3A_640 : vector<16xf32>
      %sub3A_643 = arith.constant 1.500000e+00 : f32
      %sub3A_644 = vector.broadcast %sub3A_643 : f32 to vector<16xf32>
      %sub3A_645 = arith.subf %sub3A_644, %mul3A_642 : vector<16xf32>
      %mul3A_646 = arith.mulf %mul3A_640, %sub3A_645 : vector<16xf32>
      %mul3A_647 = arith.mulf %add3A_617, %mul3A_646 : vector<16xf32>
      %mul3A_648 = arith.constant 5.000000e-01 : f32
      %mul3A_649 = vector.broadcast %mul3A_648 : f32 to vector<16xf32>
      %mul3A_650 = arith.mulf %mul3A_649, %mul3A_647 : vector<16xf32>
      %sub3A_651 = arith.subf %gather3A_22, %gather3A_612 : vector<16xf32>
      %abs3A_652 = math.absf %sub3A_651 : vector<16xf32>
      %mul3A_653 = arith.constant 5.000000e-01 : f32
      %mul3A_654 = vector.broadcast %mul3A_653 : f32 to vector<16xf32>
      %mul3A_655 = arith.mulf %mul3A_654, %abs3A_652 : vector<16xf32>
      %add3A_656 = arith.addf %mul3A_650, %mul3A_655 : vector<16xf32>
      %lt3A_657 = arith.cmpf olt, %add3A_656, %select_n3A_600 : vector<16xf32>
      %select_n3A_658 = arith.select %lt3A_657, %add3A_656, %select_n3A_600 : vector<16xi1>, vector<16xf32>
      %broadcast_in_dim3A_659 = arith.constant 10 : i32
      %broadcast_in_dim3A_660 = vector.broadcast %broadcast_in_dim3A_659 : i32 to vector<16xi32>
      %select_n3A_661 = arith.select %lt3A_657, %broadcast_in_dim3A_660, %select_n3A_603 : vector<16xi1>, vector<16xi32>
      %broadcast_in_dim3A_662 = arith.constant 52 : i32
      %broadcast_in_dim3A_663 = vector.broadcast %broadcast_in_dim3A_662 : i32 to vector<16xi32>
      %gather3A_664 = tpu.vector_load_idx %arg5[%broadcast_in_dim3A_663] : memref<144xf32, #tpu.memory_space<vmem>>[vector<16xi32>], vector<16xf32>,
      %broadcast_in_dim3A_665 = arith.constant 53 : i32
      %broadcast_in_dim3A_666 = vector.broadcast %broadcast_in_dim3A_665 : i32 to vector<16xi32>
      %gather3A_667 = tpu.vector_load_idx %arg5[%broadcast_in_dim3A_666] : memref<144xf32, #tpu.memory_space<vmem>>[vector<16xi32>], vector<16xf32>,
      %broadcast_in_dim3A_668 = arith.constant 54 : i32
      %broadcast_in_dim3A_669 = vector.broadcast %broadcast_in_dim3A_668 : i32 to vector<16xi32>
      %gather3A_670 = tpu.vector_load_idx %arg5[%broadcast_in_dim3A_669] : memref<144xf32, #tpu.memory_space<vmem>>[vector<16xi32>], vector<16xf32>,
      %sub3A_671 = arith.subf %gather3A, %gather3A_664 : vector<16xf32>
      %sub3A_672 = arith.subf %gather3A_18, %gather3A_667 : vector<16xf32>
      %mul3A_673 = arith.mulf %sub3A_671, %sub3A_671 : vector<16xf32>
      %mul3A_674 = arith.mulf %sub3A_672, %sub3A_672 : vector<16xf32>
      %add3A_675 = arith.addf %mul3A_673, %mul3A_674 : vector<16xf32>
      %bitcast3A_676 = vector.bitcast %add3A_675 : vector<16xf32> to vector<16xi32>
      %shift_right_logical3A_677 = arith.constant 1 : i32
      %shift_right_logical3A_678 = vector.broadcast %shift_right_logical3A_677 : i32 to vector<16xi32>
      %shift_right_logical3A_679 = arith.shrui %bitcast3A_676, %shift_right_logical3A_678 : vector<16xi32>
      %sub3A_680 = arith.constant 1597463007 : i32
      %sub3A_681 = vector.broadcast %sub3A_680 : i32 to vector<16xi32>
      %sub3A_682 = arith.subi %sub3A_681, %shift_right_logical3A_679 : vector<16xi32>
      %bitcast3A_683 = vector.bitcast %sub3A_682 : vector<16xi32> to vector<16xf32>
      %mul3A_684 = arith.constant 5.000000e-01 : f32
      %mul3A_685 = vector.broadcast %mul3A_684 : f32 to vector<16xf32>
      %mul3A_686 = arith.mulf %mul3A_685, %add3A_675 : vector<16xf32>
      %mul3A_687 = arith.mulf %mul3A_686, %bitcast3A_683 : vector<16xf32>
      %mul3A_688 = arith.mulf %mul3A_687, %bitcast3A_683 : vector<16xf32>
      %sub3A_689 = arith.constant 1.500000e+00 : f32
      %sub3A_690 = vector.broadcast %sub3A_689 : f32 to vector<16xf32>
      %sub3A_691 = arith.subf %sub3A_690, %mul3A_688 : vector<16xf32>
      %mul3A_692 = arith.mulf %bitcast3A_683, %sub3A_691 : vector<16xf32>
      %mul3A_693 = arith.mulf %mul3A_686, %mul3A_692 : vector<16xf32>
      %mul3A_694 = arith.mulf %mul3A_693, %mul3A_692 : vector<16xf32>
      %sub3A_695 = arith.constant 1.500000e+00 : f32
      %sub3A_696 = vector.broadcast %sub3A_695 : f32 to vector<16xf32>
      %sub3A_697 = arith.subf %sub3A_696, %mul3A_694 : vector<16xf32>
      %mul3A_698 = arith.mulf %mul3A_692, %sub3A_697 : vector<16xf32>
      %mul3A_699 = arith.mulf %mul3A_686, %mul3A_698 : vector<16xf32>
      %mul3A_700 = arith.mulf %mul3A_699, %mul3A_698 : vector<16xf32>
      %sub3A_701 = arith.constant 1.500000e+00 : f32
      %sub3A_702 = vector.broadcast %sub3A_701 : f32 to vector<16xf32>
      %sub3A_703 = arith.subf %sub3A_702, %mul3A_700 : vector<16xf32>
      %mul3A_704 = arith.mulf %mul3A_698, %sub3A_703 : vector<16xf32>
      %mul3A_705 = arith.mulf %add3A_675, %mul3A_704 : vector<16xf32>
      %mul3A_706 = arith.constant 5.000000e-01 : f32
      %mul3A_707 = vector.broadcast %mul3A_706 : f32 to vector<16xf32>
      %mul3A_708 = arith.mulf %mul3A_707, %mul3A_705 : vector<16xf32>
      %sub3A_709 = arith.subf %gather3A_22, %gather3A_670 : vector<16xf32>
      %abs3A_710 = math.absf %sub3A_709 : vector<16xf32>
      %mul3A_711 = arith.constant 5.000000e-01 : f32
      %mul3A_712 = vector.broadcast %mul3A_711 : f32 to vector<16xf32>
      %mul3A_713 = arith.mulf %mul3A_712, %abs3A_710 : vector<16xf32>
      %add3A_714 = arith.addf %mul3A_708, %mul3A_713 : vector<16xf32>
      %lt3A_715 = arith.cmpf olt, %add3A_714, %select_n3A_658 : vector<16xf32>
      %select_n3A_716 = arith.select %lt3A_715, %add3A_714, %select_n3A_658 : vector<16xi1>, vector<16xf32>
      %broadcast_in_dim3A_717 = arith.constant 11 : i32
      %broadcast_in_dim3A_718 = vector.broadcast %broadcast_in_dim3A_717 : i32 to vector<16xi32>
      %select_n3A_719 = arith.select %lt3A_715, %broadcast_in_dim3A_718, %select_n3A_661 : vector<16xi1>, vector<16xi32>
      %broadcast_in_dim3A_720 = arith.constant 56 : i32
      %broadcast_in_dim3A_721 = vector.broadcast %broadcast_in_dim3A_720 : i32 to vector<16xi32>
      %gather3A_722 = tpu.vector_load_idx %arg5[%broadcast_in_dim3A_721] : memref<144xf32, #tpu.memory_space<vmem>>[vector<16xi32>], vector<16xf32>,
      %broadcast_in_dim3A_723 = arith.constant 57 : i32
      %broadcast_in_dim3A_724 = vector.broadcast %broadcast_in_dim3A_723 : i32 to vector<16xi32>
      %gather3A_725 = tpu.vector_load_idx %arg5[%broadcast_in_dim3A_724] : memref<144xf32, #tpu.memory_space<vmem>>[vector<16xi32>], vector<16xf32>,
      %broadcast_in_dim3A_726 = arith.constant 58 : i32
      %broadcast_in_dim3A_727 = vector.broadcast %broadcast_in_dim3A_726 : i32 to vector<16xi32>
      %gather3A_728 = tpu.vector_load_idx %arg5[%broadcast_in_dim3A_727] : memref<144xf32, #tpu.memory_space<vmem>>[vector<16xi32>], vector<16xf32>,
      %sub3A_729 = arith.subf %gather3A, %gather3A_722 : vector<16xf32>
      %sub3A_730 = arith.subf %gather3A_18, %gather3A_725 : vector<16xf32>
      %mul3A_731 = arith.mulf %sub3A_729, %sub3A_729 : vector<16xf32>
      %mul3A_732 = arith.mulf %sub3A_730, %sub3A_730 : vector<16xf32>
      %add3A_733 = arith.addf %mul3A_731, %mul3A_732 : vector<16xf32>
      %bitcast3A_734 = vector.bitcast %add3A_733 : vector<16xf32> to vector<16xi32>
      %shift_right_logical3A_735 = arith.constant 1 : i32
      %shift_right_logical3A_736 = vector.broadcast %shift_right_logical3A_735 : i32 to vector<16xi32>
      %shift_right_logical3A_737 = arith.shrui %bitcast3A_734, %shift_right_logical3A_736 : vector<16xi32>
      %sub3A_738 = arith.constant 1597463007 : i32
      %sub3A_739 = vector.broadcast %sub3A_738 : i32 to vector<16xi32>
      %sub3A_740 = arith.subi %sub3A_739, %shift_right_logical3A_737 : vector<16xi32>
      %bitcast3A_741 = vector.bitcast %sub3A_740 : vector<16xi32> to vector<16xf32>
      %mul3A_742 = arith.constant 5.000000e-01 : f32
      %mul3A_743 = vector.broadcast %mul3A_742 : f32 to vector<16xf32>
      %mul3A_744 = arith.mulf %mul3A_743, %add3A_733 : vector<16xf32>
      %mul3A_745 = arith.mulf %mul3A_744, %bitcast3A_741 : vector<16xf32>
      %mul3A_746 = arith.mulf %mul3A_745, %bitcast3A_741 : vector<16xf32>
      %sub3A_747 = arith.constant 1.500000e+00 : f32
      %sub3A_748 = vector.broadcast %sub3A_747 : f32 to vector<16xf32>
      %sub3A_749 = arith.subf %sub3A_748, %mul3A_746 : vector<16xf32>
      %mul3A_750 = arith.mulf %bitcast3A_741, %sub3A_749 : vector<16xf32>
      %mul3A_751 = arith.mulf %mul3A_744, %mul3A_750 : vector<16xf32>
      %mul3A_752 = arith.mulf %mul3A_751, %mul3A_750 : vector<16xf32>
      %sub3A_753 = arith.constant 1.500000e+00 : f32
      %sub3A_754 = vector.broadcast %sub3A_753 : f32 to vector<16xf32>
      %sub3A_755 = arith.subf %sub3A_754, %mul3A_752 : vector<16xf32>
      %mul3A_756 = arith.mulf %mul3A_750, %sub3A_755 : vector<16xf32>
      %mul3A_757 = arith.mulf %mul3A_744, %mul3A_756 : vector<16xf32>
      %mul3A_758 = arith.mulf %mul3A_757, %mul3A_756 : vector<16xf32>
      %sub3A_759 = arith.constant 1.500000e+00 : f32
      %sub3A_760 = vector.broadcast %sub3A_759 : f32 to vector<16xf32>
      %sub3A_761 = arith.subf %sub3A_760, %mul3A_758 : vector<16xf32>
      %mul3A_762 = arith.mulf %mul3A_756, %sub3A_761 : vector<16xf32>
      %mul3A_763 = arith.mulf %add3A_733, %mul3A_762 : vector<16xf32>
      %mul3A_764 = arith.constant 5.000000e-01 : f32
      %mul3A_765 = vector.broadcast %mul3A_764 : f32 to vector<16xf32>
      %mul3A_766 = arith.mulf %mul3A_765, %mul3A_763 : vector<16xf32>
      %sub3A_767 = arith.subf %gather3A_22, %gather3A_728 : vector<16xf32>
      %abs3A_768 = math.absf %sub3A_767 : vector<16xf32>
      %mul3A_769 = arith.constant 5.000000e-01 : f32
      %mul3A_770 = vector.broadcast %mul3A_769 : f32 to vector<16xf32>
      %mul3A_771 = arith.mulf %mul3A_770, %abs3A_768 : vector<16xf32>
      %add3A_772 = arith.addf %mul3A_766, %mul3A_771 : vector<16xf32>
      %lt3A_773 = arith.cmpf olt, %add3A_772, %select_n3A_716 : vector<16xf32>
      %select_n3A_774 = arith.select %lt3A_773, %add3A_772, %select_n3A_716 : vector<16xi1>, vector<16xf32>
      %broadcast_in_dim3A_775 = arith.constant 12 : i32
      %broadcast_in_dim3A_776 = vector.broadcast %broadcast_in_dim3A_775 : i32 to vector<16xi32>
      %select_n3A_777 = arith.select %lt3A_773, %broadcast_in_dim3A_776, %select_n3A_719 : vector<16xi1>, vector<16xi32>
      %broadcast_in_dim3A_778 = arith.constant 60 : i32
      %broadcast_in_dim3A_779 = vector.broadcast %broadcast_in_dim3A_778 : i32 to vector<16xi32>
      %gather3A_780 = tpu.vector_load_idx %arg5[%broadcast_in_dim3A_779] : memref<144xf32, #tpu.memory_space<vmem>>[vector<16xi32>], vector<16xf32>,
      %broadcast_in_dim3A_781 = arith.constant 61 : i32
      %broadcast_in_dim3A_782 = vector.broadcast %broadcast_in_dim3A_781 : i32 to vector<16xi32>
      %gather3A_783 = tpu.vector_load_idx %arg5[%broadcast_in_dim3A_782] : memref<144xf32, #tpu.memory_space<vmem>>[vector<16xi32>], vector<16xf32>,
      %broadcast_in_dim3A_784 = arith.constant 62 : i32
      %broadcast_in_dim3A_785 = vector.broadcast %broadcast_in_dim3A_784 : i32 to vector<16xi32>
      %gather3A_786 = tpu.vector_load_idx %arg5[%broadcast_in_dim3A_785] : memref<144xf32, #tpu.memory_space<vmem>>[vector<16xi32>], vector<16xf32>,
      %sub3A_787 = arith.subf %gather3A, %gather3A_780 : vector<16xf32>
      %sub3A_788 = arith.subf %gather3A_18, %gather3A_783 : vector<16xf32>
      %mul3A_789 = arith.mulf %sub3A_787, %sub3A_787 : vector<16xf32>
      %mul3A_790 = arith.mulf %sub3A_788, %sub3A_788 : vector<16xf32>
      %add3A_791 = arith.addf %mul3A_789, %mul3A_790 : vector<16xf32>
      %bitcast3A_792 = vector.bitcast %add3A_791 : vector<16xf32> to vector<16xi32>
      %shift_right_logical3A_793 = arith.constant 1 : i32
      %shift_right_logical3A_794 = vector.broadcast %shift_right_logical3A_793 : i32 to vector<16xi32>
      %shift_right_logical3A_795 = arith.shrui %bitcast3A_792, %shift_right_logical3A_794 : vector<16xi32>
      %sub3A_796 = arith.constant 1597463007 : i32
      %sub3A_797 = vector.broadcast %sub3A_796 : i32 to vector<16xi32>
      %sub3A_798 = arith.subi %sub3A_797, %shift_right_logical3A_795 : vector<16xi32>
      %bitcast3A_799 = vector.bitcast %sub3A_798 : vector<16xi32> to vector<16xf32>
      %mul3A_800 = arith.constant 5.000000e-01 : f32
      %mul3A_801 = vector.broadcast %mul3A_800 : f32 to vector<16xf32>
      %mul3A_802 = arith.mulf %mul3A_801, %add3A_791 : vector<16xf32>
      %mul3A_803 = arith.mulf %mul3A_802, %bitcast3A_799 : vector<16xf32>
      %mul3A_804 = arith.mulf %mul3A_803, %bitcast3A_799 : vector<16xf32>
      %sub3A_805 = arith.constant 1.500000e+00 : f32
      %sub3A_806 = vector.broadcast %sub3A_805 : f32 to vector<16xf32>
      %sub3A_807 = arith.subf %sub3A_806, %mul3A_804 : vector<16xf32>
      %mul3A_808 = arith.mulf %bitcast3A_799, %sub3A_807 : vector<16xf32>
      %mul3A_809 = arith.mulf %mul3A_802, %mul3A_808 : vector<16xf32>
      %mul3A_810 = arith.mulf %mul3A_809, %mul3A_808 : vector<16xf32>
      %sub3A_811 = arith.constant 1.500000e+00 : f32
      %sub3A_812 = vector.broadcast %sub3A_811 : f32 to vector<16xf32>
      %sub3A_813 = arith.subf %sub3A_812, %mul3A_810 : vector<16xf32>
      %mul3A_814 = arith.mulf %mul3A_808, %sub3A_813 : vector<16xf32>
      %mul3A_815 = arith.mulf %mul3A_802, %mul3A_814 : vector<16xf32>
      %mul3A_816 = arith.mulf %mul3A_815, %mul3A_814 : vector<16xf32>
      %sub3A_817 = arith.constant 1.500000e+00 : f32
      %sub3A_818 = vector.broadcast %sub3A_817 : f32 to vector<16xf32>
      %sub3A_819 = arith.subf %sub3A_818, %mul3A_816 : vector<16xf32>
      %mul3A_820 = arith.mulf %mul3A_814, %sub3A_819 : vector<16xf32>
      %mul3A_821 = arith.mulf %add3A_791, %mul3A_820 : vector<16xf32>
      %mul3A_822 = arith.constant 5.000000e-01 : f32
      %mul3A_823 = vector.broadcast %mul3A_822 : f32 to vector<16xf32>
      %mul3A_824 = arith.mulf %mul3A_823, %mul3A_821 : vector<16xf32>
      %sub3A_825 = arith.subf %gather3A_22, %gather3A_786 : vector<16xf32>
      %abs3A_826 = math.absf %sub3A_825 : vector<16xf32>
      %mul3A_827 = arith.constant 5.000000e-01 : f32
      %mul3A_828 = vector.broadcast %mul3A_827 : f32 to vector<16xf32>
      %mul3A_829 = arith.mulf %mul3A_828, %abs3A_826 : vector<16xf32>
      %add3A_830 = arith.addf %mul3A_824, %mul3A_829 : vector<16xf32>
      %lt3A_831 = arith.cmpf olt, %add3A_830, %select_n3A_774 : vector<16xf32>
      %select_n3A_832 = arith.select %lt3A_831, %add3A_830, %select_n3A_774 : vector<16xi1>, vector<16xf32>
      %broadcast_in_dim3A_833 = arith.constant 13 : i32
      %broadcast_in_dim3A_834 = vector.broadcast %broadcast_in_dim3A_833 : i32 to vector<16xi32>
      %select_n3A_835 = arith.select %lt3A_831, %broadcast_in_dim3A_834, %select_n3A_777 : vector<16xi1>, vector<16xi32>
      %broadcast_in_dim3A_836 = arith.constant 64 : i32
      %broadcast_in_dim3A_837 = vector.broadcast %broadcast_in_dim3A_836 : i32 to vector<16xi32>
      %gather3A_838 = tpu.vector_load_idx %arg5[%broadcast_in_dim3A_837] : memref<144xf32, #tpu.memory_space<vmem>>[vector<16xi32>], vector<16xf32>,
      %broadcast_in_dim3A_839 = arith.constant 65 : i32
      %broadcast_in_dim3A_840 = vector.broadcast %broadcast_in_dim3A_839 : i32 to vector<16xi32>
      %gather3A_841 = tpu.vector_load_idx %arg5[%broadcast_in_dim3A_840] : memref<144xf32, #tpu.memory_space<vmem>>[vector<16xi32>], vector<16xf32>,
      %broadcast_in_dim3A_842 = arith.constant 66 : i32
      %broadcast_in_dim3A_843 = vector.broadcast %broadcast_in_dim3A_842 : i32 to vector<16xi32>
      %gather3A_844 = tpu.vector_load_idx %arg5[%broadcast_in_dim3A_843] : memref<144xf32, #tpu.memory_space<vmem>>[vector<16xi32>], vector<16xf32>,
      %sub3A_845 = arith.subf %gather3A, %gather3A_838 : vector<16xf32>
      %sub3A_846 = arith.subf %gather3A_18, %gather3A_841 : vector<16xf32>
      %mul3A_847 = arith.mulf %sub3A_845, %sub3A_845 : vector<16xf32>
      %mul3A_848 = arith.mulf %sub3A_846, %sub3A_846 : vector<16xf32>
      %add3A_849 = arith.addf %mul3A_847, %mul3A_848 : vector<16xf32>
      %bitcast3A_850 = vector.bitcast %add3A_849 : vector<16xf32> to vector<16xi32>
      %shift_right_logical3A_851 = arith.constant 1 : i32
      %shift_right_logical3A_852 = vector.broadcast %shift_right_logical3A_851 : i32 to vector<16xi32>
      %shift_right_logical3A_853 = arith.shrui %bitcast3A_850, %shift_right_logical3A_852 : vector<16xi32>
      %sub3A_854 = arith.constant 1597463007 : i32
      %sub3A_855 = vector.broadcast %sub3A_854 : i32 to vector<16xi32>
      %sub3A_856 = arith.subi %sub3A_855, %shift_right_logical3A_853 : vector<16xi32>
      %bitcast3A_857 = vector.bitcast %sub3A_856 : vector<16xi32> to vector<16xf32>
      %mul3A_858 = arith.constant 5.000000e-01 : f32
      %mul3A_859 = vector.broadcast %mul3A_858 : f32 to vector<16xf32>
      %mul3A_860 = arith.mulf %mul3A_859, %add3A_849 : vector<16xf32>
      %mul3A_861 = arith.mulf %mul3A_860, %bitcast3A_857 : vector<16xf32>
      %mul3A_862 = arith.mulf %mul3A_861, %bitcast3A_857 : vector<16xf32>
      %sub3A_863 = arith.constant 1.500000e+00 : f32
      %sub3A_864 = vector.broadcast %sub3A_863 : f32 to vector<16xf32>
      %sub3A_865 = arith.subf %sub3A_864, %mul3A_862 : vector<16xf32>
      %mul3A_866 = arith.mulf %bitcast3A_857, %sub3A_865 : vector<16xf32>
      %mul3A_867 = arith.mulf %mul3A_860, %mul3A_866 : vector<16xf32>
      %mul3A_868 = arith.mulf %mul3A_867, %mul3A_866 : vector<16xf32>
      %sub3A_869 = arith.constant 1.500000e+00 : f32
      %sub3A_870 = vector.broadcast %sub3A_869 : f32 to vector<16xf32>
      %sub3A_871 = arith.subf %sub3A_870, %mul3A_868 : vector<16xf32>
      %mul3A_872 = arith.mulf %mul3A_866, %sub3A_871 : vector<16xf32>
      %mul3A_873 = arith.mulf %mul3A_860, %mul3A_872 : vector<16xf32>
      %mul3A_874 = arith.mulf %mul3A_873, %mul3A_872 : vector<16xf32>
      %sub3A_875 = arith.constant 1.500000e+00 : f32
      %sub3A_876 = vector.broadcast %sub3A_875 : f32 to vector<16xf32>
      %sub3A_877 = arith.subf %sub3A_876, %mul3A_874 : vector<16xf32>
      %mul3A_878 = arith.mulf %mul3A_872, %sub3A_877 : vector<16xf32>
      %mul3A_879 = arith.mulf %add3A_849, %mul3A_878 : vector<16xf32>
      %mul3A_880 = arith.constant 5.000000e-01 : f32
      %mul3A_881 = vector.broadcast %mul3A_880 : f32 to vector<16xf32>
      %mul3A_882 = arith.mulf %mul3A_881, %mul3A_879 : vector<16xf32>
      %sub3A_883 = arith.subf %gather3A_22, %gather3A_844 : vector<16xf32>
      %abs3A_884 = math.absf %sub3A_883 : vector<16xf32>
      %mul3A_885 = arith.constant 5.000000e-01 : f32
      %mul3A_886 = vector.broadcast %mul3A_885 : f32 to vector<16xf32>
      %mul3A_887 = arith.mulf %mul3A_886, %abs3A_884 : vector<16xf32>
      %add3A_888 = arith.addf %mul3A_882, %mul3A_887 : vector<16xf32>
      %lt3A_889 = arith.cmpf olt, %add3A_888, %select_n3A_832 : vector<16xf32>
      %select_n3A_890 = arith.select %lt3A_889, %add3A_888, %select_n3A_832 : vector<16xi1>, vector<16xf32>
      %broadcast_in_dim3A_891 = arith.constant 14 : i32
      %broadcast_in_dim3A_892 = vector.broadcast %broadcast_in_dim3A_891 : i32 to vector<16xi32>
      %select_n3A_893 = arith.select %lt3A_889, %broadcast_in_dim3A_892, %select_n3A_835 : vector<16xi1>, vector<16xi32>
      %broadcast_in_dim3A_894 = arith.constant 68 : i32
      %broadcast_in_dim3A_895 = vector.broadcast %broadcast_in_dim3A_894 : i32 to vector<16xi32>
      %gather3A_896 = tpu.vector_load_idx %arg5[%broadcast_in_dim3A_895] : memref<144xf32, #tpu.memory_space<vmem>>[vector<16xi32>], vector<16xf32>,
      %broadcast_in_dim3A_897 = arith.constant 69 : i32
      %broadcast_in_dim3A_898 = vector.broadcast %broadcast_in_dim3A_897 : i32 to vector<16xi32>
      %gather3A_899 = tpu.vector_load_idx %arg5[%broadcast_in_dim3A_898] : memref<144xf32, #tpu.memory_space<vmem>>[vector<16xi32>], vector<16xf32>,
      %broadcast_in_dim3A_900 = arith.constant 70 : i32
      %broadcast_in_dim3A_901 = vector.broadcast %broadcast_in_dim3A_900 : i32 to vector<16xi32>
      %gather3A_902 = tpu.vector_load_idx %arg5[%broadcast_in_dim3A_901] : memref<144xf32, #tpu.memory_space<vmem>>[vector<16xi32>], vector<16xf32>,
      %sub3A_903 = arith.subf %gather3A, %gather3A_896 : vector<16xf32>
      %sub3A_904 = arith.subf %gather3A_18, %gather3A_899 : vector<16xf32>
      %mul3A_905 = arith.mulf %sub3A_903, %sub3A_903 : vector<16xf32>
      %mul3A_906 = arith.mulf %sub3A_904, %sub3A_904 : vector<16xf32>
      %add3A_907 = arith.addf %mul3A_905, %mul3A_906 : vector<16xf32>
      %bitcast3A_908 = vector.bitcast %add3A_907 : vector<16xf32> to vector<16xi32>
      %shift_right_logical3A_909 = arith.constant 1 : i32
      %shift_right_logical3A_910 = vector.broadcast %shift_right_logical3A_909 : i32 to vector<16xi32>
      %shift_right_logical3A_911 = arith.shrui %bitcast3A_908, %shift_right_logical3A_910 : vector<16xi32>
      %sub3A_912 = arith.constant 1597463007 : i32
      %sub3A_913 = vector.broadcast %sub3A_912 : i32 to vector<16xi32>
      %sub3A_914 = arith.subi %sub3A_913, %shift_right_logical3A_911 : vector<16xi32>
      %bitcast3A_915 = vector.bitcast %sub3A_914 : vector<16xi32> to vector<16xf32>
      %mul3A_916 = arith.constant 5.000000e-01 : f32
      %mul3A_917 = vector.broadcast %mul3A_916 : f32 to vector<16xf32>
      %mul3A_918 = arith.mulf %mul3A_917, %add3A_907 : vector<16xf32>
      %mul3A_919 = arith.mulf %mul3A_918, %bitcast3A_915 : vector<16xf32>
      %mul3A_920 = arith.mulf %mul3A_919, %bitcast3A_915 : vector<16xf32>
      %sub3A_921 = arith.constant 1.500000e+00 : f32
      %sub3A_922 = vector.broadcast %sub3A_921 : f32 to vector<16xf32>
      %sub3A_923 = arith.subf %sub3A_922, %mul3A_920 : vector<16xf32>
      %mul3A_924 = arith.mulf %bitcast3A_915, %sub3A_923 : vector<16xf32>
      %mul3A_925 = arith.mulf %mul3A_918, %mul3A_924 : vector<16xf32>
      %mul3A_926 = arith.mulf %mul3A_925, %mul3A_924 : vector<16xf32>
      %sub3A_927 = arith.constant 1.500000e+00 : f32
      %sub3A_928 = vector.broadcast %sub3A_927 : f32 to vector<16xf32>
      %sub3A_929 = arith.subf %sub3A_928, %mul3A_926 : vector<16xf32>
      %mul3A_930 = arith.mulf %mul3A_924, %sub3A_929 : vector<16xf32>
      %mul3A_931 = arith.mulf %mul3A_918, %mul3A_930 : vector<16xf32>
      %mul3A_932 = arith.mulf %mul3A_931, %mul3A_930 : vector<16xf32>
      %sub3A_933 = arith.constant 1.500000e+00 : f32
      %sub3A_934 = vector.broadcast %sub3A_933 : f32 to vector<16xf32>
      %sub3A_935 = arith.subf %sub3A_934, %mul3A_932 : vector<16xf32>
      %mul3A_936 = arith.mulf %mul3A_930, %sub3A_935 : vector<16xf32>
      %mul3A_937 = arith.mulf %add3A_907, %mul3A_936 : vector<16xf32>
      %mul3A_938 = arith.constant 5.000000e-01 : f32
      %mul3A_939 = vector.broadcast %mul3A_938 : f32 to vector<16xf32>
      %mul3A_940 = arith.mulf %mul3A_939, %mul3A_937 : vector<16xf32>
      %sub3A_941 = arith.subf %gather3A_22, %gather3A_902 : vector<16xf32>
      %abs3A_942 = math.absf %sub3A_941 : vector<16xf32>
      %mul3A_943 = arith.constant 5.000000e-01 : f32
      %mul3A_944 = vector.broadcast %mul3A_943 : f32 to vector<16xf32>
      %mul3A_945 = arith.mulf %mul3A_944, %abs3A_942 : vector<16xf32>
      %add3A_946 = arith.addf %mul3A_940, %mul3A_945 : vector<16xf32>
      %lt3A_947 = arith.cmpf olt, %add3A_946, %select_n3A_890 : vector<16xf32>
      %select_n3A_948 = arith.select %lt3A_947, %add3A_946, %select_n3A_890 : vector<16xi1>, vector<16xf32>
      %broadcast_in_dim3A_949 = arith.constant 15 : i32
      %broadcast_in_dim3A_950 = vector.broadcast %broadcast_in_dim3A_949 : i32 to vector<16xi32>
      %select_n3A_951 = arith.select %lt3A_947, %broadcast_in_dim3A_950, %select_n3A_893 : vector<16xi1>, vector<16xi32>
      %broadcast_in_dim3A_952 = arith.constant 72 : i32
      %broadcast_in_dim3A_953 = vector.broadcast %broadcast_in_dim3A_952 : i32 to vector<16xi32>
      %gather3A_954 = tpu.vector_load_idx %arg5[%broadcast_in_dim3A_953] : memref<144xf32, #tpu.memory_space<vmem>>[vector<16xi32>], vector<16xf32>,
      %broadcast_in_dim3A_955 = arith.constant 73 : i32
      %broadcast_in_dim3A_956 = vector.broadcast %broadcast_in_dim3A_955 : i32 to vector<16xi32>
      %gather3A_957 = tpu.vector_load_idx %arg5[%broadcast_in_dim3A_956] : memref<144xf32, #tpu.memory_space<vmem>>[vector<16xi32>], vector<16xf32>,
      %broadcast_in_dim3A_958 = arith.constant 74 : i32
      %broadcast_in_dim3A_959 = vector.broadcast %broadcast_in_dim3A_958 : i32 to vector<16xi32>
      %gather3A_960 = tpu.vector_load_idx %arg5[%broadcast_in_dim3A_959] : memref<144xf32, #tpu.memory_space<vmem>>[vector<16xi32>], vector<16xf32>,
      %sub3A_961 = arith.subf %gather3A, %gather3A_954 : vector<16xf32>
      %sub3A_962 = arith.subf %gather3A_18, %gather3A_957 : vector<16xf32>
      %mul3A_963 = arith.mulf %sub3A_961, %sub3A_961 : vector<16xf32>
      %mul3A_964 = arith.mulf %sub3A_962, %sub3A_962 : vector<16xf32>
      %add3A_965 = arith.addf %mul3A_963, %mul3A_964 : vector<16xf32>
      %bitcast3A_966 = vector.bitcast %add3A_965 : vector<16xf32> to vector<16xi32>
      %shift_right_logical3A_967 = arith.constant 1 : i32
      %shift_right_logical3A_968 = vector.broadcast %shift_right_logical3A_967 : i32 to vector<16xi32>
      %shift_right_logical3A_969 = arith.shrui %bitcast3A_966, %shift_right_logical3A_968 : vector<16xi32>
      %sub3A_970 = arith.constant 1597463007 : i32
      %sub3A_971 = vector.broadcast %sub3A_970 : i32 to vector<16xi32>
      %sub3A_972 = arith.subi %sub3A_971, %shift_right_logical3A_969 : vector<16xi32>
      %bitcast3A_973 = vector.bitcast %sub3A_972 : vector<16xi32> to vector<16xf32>
      %mul3A_974 = arith.constant 5.000000e-01 : f32
      %mul3A_975 = vector.broadcast %mul3A_974 : f32 to vector<16xf32>
      %mul3A_976 = arith.mulf %mul3A_975, %add3A_965 : vector<16xf32>
      %mul3A_977 = arith.mulf %mul3A_976, %bitcast3A_973 : vector<16xf32>
      %mul3A_978 = arith.mulf %mul3A_977, %bitcast3A_973 : vector<16xf32>
      %sub3A_979 = arith.constant 1.500000e+00 : f32
      %sub3A_980 = vector.broadcast %sub3A_979 : f32 to vector<16xf32>
      %sub3A_981 = arith.subf %sub3A_980, %mul3A_978 : vector<16xf32>
      %mul3A_982 = arith.mulf %bitcast3A_973, %sub3A_981 : vector<16xf32>
      %mul3A_983 = arith.mulf %mul3A_976, %mul3A_982 : vector<16xf32>
      %mul3A_984 = arith.mulf %mul3A_983, %mul3A_982 : vector<16xf32>
      %sub3A_985 = arith.constant 1.500000e+00 : f32
      %sub3A_986 = vector.broadcast %sub3A_985 : f32 to vector<16xf32>
      %sub3A_987 = arith.subf %sub3A_986, %mul3A_984 : vector<16xf32>
      %mul3A_988 = arith.mulf %mul3A_982, %sub3A_987 : vector<16xf32>
      %mul3A_989 = arith.mulf %mul3A_976, %mul3A_988 : vector<16xf32>
      %mul3A_990 = arith.mulf %mul3A_989, %mul3A_988 : vector<16xf32>
      %sub3A_991 = arith.constant 1.500000e+00 : f32
      %sub3A_992 = vector.broadcast %sub3A_991 : f32 to vector<16xf32>
      %sub3A_993 = arith.subf %sub3A_992, %mul3A_990 : vector<16xf32>
      %mul3A_994 = arith.mulf %mul3A_988, %sub3A_993 : vector<16xf32>
      %mul3A_995 = arith.mulf %add3A_965, %mul3A_994 : vector<16xf32>
      %mul3A_996 = arith.constant 5.000000e-01 : f32
      %mul3A_997 = vector.broadcast %mul3A_996 : f32 to vector<16xf32>
      %mul3A_998 = arith.mulf %mul3A_997, %mul3A_995 : vector<16xf32>
      %sub3A_999 = arith.subf %gather3A_22, %gather3A_960 : vector<16xf32>
      %abs3A_1000 = math.absf %sub3A_999 : vector<16xf32>
      %mul3A_1001 = arith.constant 5.000000e-01 : f32
      %mul3A_1002 = vector.broadcast %mul3A_1001 : f32 to vector<16xf32>
      %mul3A_1003 = arith.mulf %mul3A_1002, %abs3A_1000 : vector<16xf32>
      %add3A_1004 = arith.addf %mul3A_998, %mul3A_1003 : vector<16xf32>
      %lt3A_1005 = arith.cmpf olt, %add3A_1004, %select_n3A_948 : vector<16xf32>
      %select_n3A_1006 = arith.select %lt3A_1005, %add3A_1004, %select_n3A_948 : vector<16xi1>, vector<16xf32>
      %broadcast_in_dim3A_1007 = arith.constant 16 : i32
      %broadcast_in_dim3A_1008 = vector.broadcast %broadcast_in_dim3A_1007 : i32 to vector<16xi32>
      %select_n3A_1009 = arith.select %lt3A_1005, %broadcast_in_dim3A_1008, %select_n3A_951 : vector<16xi1>, vector<16xi32>
      %broadcast_in_dim3A_1010 = arith.constant 76 : i32
      %broadcast_in_dim3A_1011 = vector.broadcast %broadcast_in_dim3A_1010 : i32 to vector<16xi32>
      %gather3A_1012 = tpu.vector_load_idx %arg5[%broadcast_in_dim3A_1011] : memref<144xf32, #tpu.memory_space<vmem>>[vector<16xi32>], vector<16xf32>,
      %broadcast_in_dim3A_1013 = arith.constant 77 : i32
      %broadcast_in_dim3A_1014 = vector.broadcast %broadcast_in_dim3A_1013 : i32 to vector<16xi32>
      %gather3A_1015 = tpu.vector_load_idx %arg5[%broadcast_in_dim3A_1014] : memref<144xf32, #tpu.memory_space<vmem>>[vector<16xi32>], vector<16xf32>,
      %broadcast_in_dim3A_1016 = arith.constant 78 : i32
      %broadcast_in_dim3A_1017 = vector.broadcast %broadcast_in_dim3A_1016 : i32 to vector<16xi32>
      %gather3A_1018 = tpu.vector_load_idx %arg5[%broadcast_in_dim3A_1017] : memref<144xf32, #tpu.memory_space<vmem>>[vector<16xi32>], vector<16xf32>,
      %sub3A_1019 = arith.subf %gather3A, %gather3A_1012 : vector<16xf32>
      %sub3A_1020 = arith.subf %gather3A_18, %gather3A_1015 : vector<16xf32>
      %mul3A_1021 = arith.mulf %sub3A_1019, %sub3A_1019 : vector<16xf32>
      %mul3A_1022 = arith.mulf %sub3A_1020, %sub3A_1020 : vector<16xf32>
      %add3A_1023 = arith.addf %mul3A_1021, %mul3A_1022 : vector<16xf32>
      %bitcast3A_1024 = vector.bitcast %add3A_1023 : vector<16xf32> to vector<16xi32>
      %shift_right_logical3A_1025 = arith.constant 1 : i32
      %shift_right_logical3A_1026 = vector.broadcast %shift_right_logical3A_1025 : i32 to vector<16xi32>
      %shift_right_logical3A_1027 = arith.shrui %bitcast3A_1024, %shift_right_logical3A_1026 : vector<16xi32>
      %sub3A_1028 = arith.constant 1597463007 : i32
      %sub3A_1029 = vector.broadcast %sub3A_1028 : i32 to vector<16xi32>
      %sub3A_1030 = arith.subi %sub3A_1029, %shift_right_logical3A_1027 : vector<16xi32>
      %bitcast3A_1031 = vector.bitcast %sub3A_1030 : vector<16xi32> to vector<16xf32>
      %mul3A_1032 = arith.constant 5.000000e-01 : f32
      %mul3A_1033 = vector.broadcast %mul3A_1032 : f32 to vector<16xf32>
      %mul3A_1034 = arith.mulf %mul3A_1033, %add3A_1023 : vector<16xf32>
      %mul3A_1035 = arith.mulf %mul3A_1034, %bitcast3A_1031 : vector<16xf32>
      %mul3A_1036 = arith.mulf %mul3A_1035, %bitcast3A_1031 : vector<16xf32>
      %sub3A_1037 = arith.constant 1.500000e+00 : f32
      %sub3A_1038 = vector.broadcast %sub3A_1037 : f32 to vector<16xf32>
      %sub3A_1039 = arith.subf %sub3A_1038, %mul3A_1036 : vector<16xf32>
      %mul3A_1040 = arith.mulf %bitcast3A_1031, %sub3A_1039 : vector<16xf32>
      %mul3A_1041 = arith.mulf %mul3A_1034, %mul3A_1040 : vector<16xf32>
      %mul3A_1042 = arith.mulf %mul3A_1041, %mul3A_1040 : vector<16xf32>
      %sub3A_1043 = arith.constant 1.500000e+00 : f32
      %sub3A_1044 = vector.broadcast %sub3A_1043 : f32 to vector<16xf32>
      %sub3A_1045 = arith.subf %sub3A_1044, %mul3A_1042 : vector<16xf32>
      %mul3A_1046 = arith.mulf %mul3A_1040, %sub3A_1045 : vector<16xf32>
      %mul3A_1047 = arith.mulf %mul3A_1034, %mul3A_1046 : vector<16xf32>
      %mul3A_1048 = arith.mulf %mul3A_1047, %mul3A_1046 : vector<16xf32>
      %sub3A_1049 = arith.constant 1.500000e+00 : f32
      %sub3A_1050 = vector.broadcast %sub3A_1049 : f32 to vector<16xf32>
      %sub3A_1051 = arith.subf %sub3A_1050, %mul3A_1048 : vector<16xf32>
      %mul3A_1052 = arith.mulf %mul3A_1046, %sub3A_1051 : vector<16xf32>
      %mul3A_1053 = arith.mulf %add3A_1023, %mul3A_1052 : vector<16xf32>
      %mul3A_1054 = arith.constant 5.000000e-01 : f32
      %mul3A_1055 = vector.broadcast %mul3A_1054 : f32 to vector<16xf32>
      %mul3A_1056 = arith.mulf %mul3A_1055, %mul3A_1053 : vector<16xf32>
      %sub3A_1057 = arith.subf %gather3A_22, %gather3A_1018 : vector<16xf32>
      %abs3A_1058 = math.absf %sub3A_1057 : vector<16xf32>
      %mul3A_1059 = arith.constant 5.000000e-01 : f32
      %mul3A_1060 = vector.broadcast %mul3A_1059 : f32 to vector<16xf32>
      %mul3A_1061 = arith.mulf %mul3A_1060, %abs3A_1058 : vector<16xf32>
      %add3A_1062 = arith.addf %mul3A_1056, %mul3A_1061 : vector<16xf32>
      %lt3A_1063 = arith.cmpf olt, %add3A_1062, %select_n3A_1006 : vector<16xf32>
      %select_n3A_1064 = arith.select %lt3A_1063, %add3A_1062, %select_n3A_1006 : vector<16xi1>, vector<16xf32>
      %broadcast_in_dim3A_1065 = arith.constant 17 : i32
      %broadcast_in_dim3A_1066 = vector.broadcast %broadcast_in_dim3A_1065 : i32 to vector<16xi32>
      %select_n3A_1067 = arith.select %lt3A_1063, %broadcast_in_dim3A_1066, %select_n3A_1009 : vector<16xi1>, vector<16xi32>
      %broadcast_in_dim3A_1068 = arith.constant 80 : i32
      %broadcast_in_dim3A_1069 = vector.broadcast %broadcast_in_dim3A_1068 : i32 to vector<16xi32>
      %gather3A_1070 = tpu.vector_load_idx %arg5[%broadcast_in_dim3A_1069] : memref<144xf32, #tpu.memory_space<vmem>>[vector<16xi32>], vector<16xf32>,
      %broadcast_in_dim3A_1071 = arith.constant 81 : i32
      %broadcast_in_dim3A_1072 = vector.broadcast %broadcast_in_dim3A_1071 : i32 to vector<16xi32>
      %gather3A_1073 = tpu.vector_load_idx %arg5[%broadcast_in_dim3A_1072] : memref<144xf32, #tpu.memory_space<vmem>>[vector<16xi32>], vector<16xf32>,
      %broadcast_in_dim3A_1074 = arith.constant 82 : i32
      %broadcast_in_dim3A_1075 = vector.broadcast %broadcast_in_dim3A_1074 : i32 to vector<16xi32>
      %gather3A_1076 = tpu.vector_load_idx %arg5[%broadcast_in_dim3A_1075] : memref<144xf32, #tpu.memory_space<vmem>>[vector<16xi32>], vector<16xf32>,
      %sub3A_1077 = arith.subf %gather3A, %gather3A_1070 : vector<16xf32>
      %sub3A_1078 = arith.subf %gather3A_18, %gather3A_1073 : vector<16xf32>
      %mul3A_1079 = arith.mulf %sub3A_1077, %sub3A_1077 : vector<16xf32>
      %mul3A_1080 = arith.mulf %sub3A_1078, %sub3A_1078 : vector<16xf32>
      %add3A_1081 = arith.addf %mul3A_1079, %mul3A_1080 : vector<16xf32>
      %bitcast3A_1082 = vector.bitcast %add3A_1081 : vector<16xf32> to vector<16xi32>
      %shift_right_logical3A_1083 = arith.constant 1 : i32
      %shift_right_logical3A_1084 = vector.broadcast %shift_right_logical3A_1083 : i32 to vector<16xi32>
      %shift_right_logical3A_1085 = arith.shrui %bitcast3A_1082, %shift_right_logical3A_1084 : vector<16xi32>
      %sub3A_1086 = arith.constant 1597463007 : i32
      %sub3A_1087 = vector.broadcast %sub3A_1086 : i32 to vector<16xi32>
      %sub3A_1088 = arith.subi %sub3A_1087, %shift_right_logical3A_1085 : vector<16xi32>
      %bitcast3A_1089 = vector.bitcast %sub3A_1088 : vector<16xi32> to vector<16xf32>
      %mul3A_1090 = arith.constant 5.000000e-01 : f32
      %mul3A_1091 = vector.broadcast %mul3A_1090 : f32 to vector<16xf32>
      %mul3A_1092 = arith.mulf %mul3A_1091, %add3A_1081 : vector<16xf32>
      %mul3A_1093 = arith.mulf %mul3A_1092, %bitcast3A_1089 : vector<16xf32>
      %mul3A_1094 = arith.mulf %mul3A_1093, %bitcast3A_1089 : vector<16xf32>
      %sub3A_1095 = arith.constant 1.500000e+00 : f32
      %sub3A_1096 = vector.broadcast %sub3A_1095 : f32 to vector<16xf32>
      %sub3A_1097 = arith.subf %sub3A_1096, %mul3A_1094 : vector<16xf32>
      %mul3A_1098 = arith.mulf %bitcast3A_1089, %sub3A_1097 : vector<16xf32>
      %mul3A_1099 = arith.mulf %mul3A_1092, %mul3A_1098 : vector<16xf32>
      %mul3A_1100 = arith.mulf %mul3A_1099, %mul3A_1098 : vector<16xf32>
      %sub3A_1101 = arith.constant 1.500000e+00 : f32
      %sub3A_1102 = vector.broadcast %sub3A_1101 : f32 to vector<16xf32>
      %sub3A_1103 = arith.subf %sub3A_1102, %mul3A_1100 : vector<16xf32>
      %mul3A_1104 = arith.mulf %mul3A_1098, %sub3A_1103 : vector<16xf32>
      %mul3A_1105 = arith.mulf %mul3A_1092, %mul3A_1104 : vector<16xf32>
      %mul3A_1106 = arith.mulf %mul3A_1105, %mul3A_1104 : vector<16xf32>
      %sub3A_1107 = arith.constant 1.500000e+00 : f32
      %sub3A_1108 = vector.broadcast %sub3A_1107 : f32 to vector<16xf32>
      %sub3A_1109 = arith.subf %sub3A_1108, %mul3A_1106 : vector<16xf32>
      %mul3A_1110 = arith.mulf %mul3A_1104, %sub3A_1109 : vector<16xf32>
      %mul3A_1111 = arith.mulf %add3A_1081, %mul3A_1110 : vector<16xf32>
      %mul3A_1112 = arith.constant 5.000000e-01 : f32
      %mul3A_1113 = vector.broadcast %mul3A_1112 : f32 to vector<16xf32>
      %mul3A_1114 = arith.mulf %mul3A_1113, %mul3A_1111 : vector<16xf32>
      %sub3A_1115 = arith.subf %gather3A_22, %gather3A_1076 : vector<16xf32>
      %abs3A_1116 = math.absf %sub3A_1115 : vector<16xf32>
      %mul3A_1117 = arith.constant 5.000000e-01 : f32
      %mul3A_1118 = vector.broadcast %mul3A_1117 : f32 to vector<16xf32>
      %mul3A_1119 = arith.mulf %mul3A_1118, %abs3A_1116 : vector<16xf32>
      %add3A_1120 = arith.addf %mul3A_1114, %mul3A_1119 : vector<16xf32>
      %lt3A_1121 = arith.cmpf olt, %add3A_1120, %select_n3A_1064 : vector<16xf32>
      %select_n3A_1122 = arith.select %lt3A_1121, %add3A_1120, %select_n3A_1064 : vector<16xi1>, vector<16xf32>
      %broadcast_in_dim3A_1123 = arith.constant 18 : i32
      %broadcast_in_dim3A_1124 = vector.broadcast %broadcast_in_dim3A_1123 : i32 to vector<16xi32>
      %select_n3A_1125 = arith.select %lt3A_1121, %broadcast_in_dim3A_1124, %select_n3A_1067 : vector<16xi1>, vector<16xi32>
      %broadcast_in_dim3A_1126 = arith.constant 84 : i32
      %broadcast_in_dim3A_1127 = vector.broadcast %broadcast_in_dim3A_1126 : i32 to vector<16xi32>
      %gather3A_1128 = tpu.vector_load_idx %arg5[%broadcast_in_dim3A_1127] : memref<144xf32, #tpu.memory_space<vmem>>[vector<16xi32>], vector<16xf32>,
      %broadcast_in_dim3A_1129 = arith.constant 85 : i32
      %broadcast_in_dim3A_1130 = vector.broadcast %broadcast_in_dim3A_1129 : i32 to vector<16xi32>
      %gather3A_1131 = tpu.vector_load_idx %arg5[%broadcast_in_dim3A_1130] : memref<144xf32, #tpu.memory_space<vmem>>[vector<16xi32>], vector<16xf32>,
      %broadcast_in_dim3A_1132 = arith.constant 86 : i32
      %broadcast_in_dim3A_1133 = vector.broadcast %broadcast_in_dim3A_1132 : i32 to vector<16xi32>
      %gather3A_1134 = tpu.vector_load_idx %arg5[%broadcast_in_dim3A_1133] : memref<144xf32, #tpu.memory_space<vmem>>[vector<16xi32>], vector<16xf32>,
      %sub3A_1135 = arith.subf %gather3A, %gather3A_1128 : vector<16xf32>
      %sub3A_1136 = arith.subf %gather3A_18, %gather3A_1131 : vector<16xf32>
      %mul3A_1137 = arith.mulf %sub3A_1135, %sub3A_1135 : vector<16xf32>
      %mul3A_1138 = arith.mulf %sub3A_1136, %sub3A_1136 : vector<16xf32>
      %add3A_1139 = arith.addf %mul3A_1137, %mul3A_1138 : vector<16xf32>
      %bitcast3A_1140 = vector.bitcast %add3A_1139 : vector<16xf32> to vector<16xi32>
      %shift_right_logical3A_1141 = arith.constant 1 : i32
      %shift_right_logical3A_1142 = vector.broadcast %shift_right_logical3A_1141 : i32 to vector<16xi32>
      %shift_right_logical3A_1143 = arith.shrui %bitcast3A_1140, %shift_right_logical3A_1142 : vector<16xi32>
      %sub3A_1144 = arith.constant 1597463007 : i32
      %sub3A_1145 = vector.broadcast %sub3A_1144 : i32 to vector<16xi32>
      %sub3A_1146 = arith.subi %sub3A_1145, %shift_right_logical3A_1143 : vector<16xi32>
      %bitcast3A_1147 = vector.bitcast %sub3A_1146 : vector<16xi32> to vector<16xf32>
      %mul3A_1148 = arith.constant 5.000000e-01 : f32
      %mul3A_1149 = vector.broadcast %mul3A_1148 : f32 to vector<16xf32>
      %mul3A_1150 = arith.mulf %mul3A_1149, %add3A_1139 : vector<16xf32>
      %mul3A_1151 = arith.mulf %mul3A_1150, %bitcast3A_1147 : vector<16xf32>
      %mul3A_1152 = arith.mulf %mul3A_1151, %bitcast3A_1147 : vector<16xf32>
      %sub3A_1153 = arith.constant 1.500000e+00 : f32
      %sub3A_1154 = vector.broadcast %sub3A_1153 : f32 to vector<16xf32>
      %sub3A_1155 = arith.subf %sub3A_1154, %mul3A_1152 : vector<16xf32>
      %mul3A_1156 = arith.mulf %bitcast3A_1147, %sub3A_1155 : vector<16xf32>
      %mul3A_1157 = arith.mulf %mul3A_1150, %mul3A_1156 : vector<16xf32>
      %mul3A_1158 = arith.mulf %mul3A_1157, %mul3A_1156 : vector<16xf32>
      %sub3A_1159 = arith.constant 1.500000e+00 : f32
      %sub3A_1160 = vector.broadcast %sub3A_1159 : f32 to vector<16xf32>
      %sub3A_1161 = arith.subf %sub3A_1160, %mul3A_1158 : vector<16xf32>
      %mul3A_1162 = arith.mulf %mul3A_1156, %sub3A_1161 : vector<16xf32>
      %mul3A_1163 = arith.mulf %mul3A_1150, %mul3A_1162 : vector<16xf32>
      %mul3A_1164 = arith.mulf %mul3A_1163, %mul3A_1162 : vector<16xf32>
      %sub3A_1165 = arith.constant 1.500000e+00 : f32
      %sub3A_1166 = vector.broadcast %sub3A_1165 : f32 to vector<16xf32>
      %sub3A_1167 = arith.subf %sub3A_1166, %mul3A_1164 : vector<16xf32>
      %mul3A_1168 = arith.mulf %mul3A_1162, %sub3A_1167 : vector<16xf32>
      %mul3A_1169 = arith.mulf %add3A_1139, %mul3A_1168 : vector<16xf32>
      %mul3A_1170 = arith.constant 5.000000e-01 : f32
      %mul3A_1171 = vector.broadcast %mul3A_1170 : f32 to vector<16xf32>
      %mul3A_1172 = arith.mulf %mul3A_1171, %mul3A_1169 : vector<16xf32>
      %sub3A_1173 = arith.subf %gather3A_22, %gather3A_1134 : vector<16xf32>
      %abs3A_1174 = math.absf %sub3A_1173 : vector<16xf32>
      %mul3A_1175 = arith.constant 5.000000e-01 : f32
      %mul3A_1176 = vector.broadcast %mul3A_1175 : f32 to vector<16xf32>
      %mul3A_1177 = arith.mulf %mul3A_1176, %abs3A_1174 : vector<16xf32>
      %add3A_1178 = arith.addf %mul3A_1172, %mul3A_1177 : vector<16xf32>
      %lt3A_1179 = arith.cmpf olt, %add3A_1178, %select_n3A_1122 : vector<16xf32>
      %select_n3A_1180 = arith.select %lt3A_1179, %add3A_1178, %select_n3A_1122 : vector<16xi1>, vector<16xf32>
      %broadcast_in_dim3A_1181 = arith.constant 19 : i32
      %broadcast_in_dim3A_1182 = vector.broadcast %broadcast_in_dim3A_1181 : i32 to vector<16xi32>
      %select_n3A_1183 = arith.select %lt3A_1179, %broadcast_in_dim3A_1182, %select_n3A_1125 : vector<16xi1>, vector<16xi32>
      %lt3A_1184 = arith.constant 12 : i32
      %lt3A_1185 = vector.broadcast %lt3A_1184 : i32 to vector<16xi32>
      %lt3A_1186 = arith.cmpi slt, %iota3A, %lt3A_1185 : vector<16xi32>
      %mul3A_1187 = arith.constant 4 : i32
      %mul3A_1188 = vector.broadcast %mul3A_1187 : i32 to vector<16xi32>
      %mul3A_1189 = arith.muli %mul3A_1188, %select_n3A_1183 : vector<16xi32>
      %add3A_1190 = arith.constant 8 : i32
      %add3A_1191 = vector.broadcast %add3A_1190 : i32 to vector<16xi32>
      %add3A_1192 = arith.addi %mul3A_1189, %add3A_1191 : vector<16xi32>
      %gather3A_1193 = tpu.vector_load_idx %arg5[%add3A_1192] : memref<144xf32, #tpu.memory_space<vmem>>[vector<16xi32>], vector<16xf32>,
      %add3A_1194 = arith.constant 1 : i32
      %add3A_1195 = vector.broadcast %add3A_1194 : i32 to vector<16xi32>
      %add3A_1196 = arith.addi %add3A_1192, %add3A_1195 : vector<16xi32>
      %gather3A_1197 = tpu.vector_load_idx %arg5[%add3A_1196] : memref<144xf32, #tpu.memory_space<vmem>>[vector<16xi32>], vector<16xf32>,
      %add3A_1198 = arith.constant 2 : i32
      %add3A_1199 = vector.broadcast %add3A_1198 : i32 to vector<16xi32>
      %add3A_1200 = arith.addi %add3A_1192, %add3A_1199 : vector<16xi32>
      %gather3A_1201 = tpu.vector_load_idx %arg5[%add3A_1200] : memref<144xf32, #tpu.memory_space<vmem>>[vector<16xi32>], vector<16xf32>,
      %add3A_1202 = arith.constant 3 : i32
      %add3A_1203 = vector.broadcast %add3A_1202 : i32 to vector<16xi32>
      %add3A_1204 = arith.addi %add3A_1192, %add3A_1203 : vector<16xi32>
      %gather3A_1205 = tpu.vector_load_idx %arg5[%add3A_1204] : memref<144xf32, #tpu.memory_space<vmem>>[vector<16xi32>], vector<16xf32>,
      %sub3A_1206 = arith.subf %gather3A, %gather3A_1193 : vector<16xf32>
      %sub3A_1207 = arith.subf %gather3A_18, %gather3A_1197 : vector<16xf32>
      %mul3A_1208 = arith.mulf %sub3A_1206, %sub3A_1206 : vector<16xf32>
      %mul3A_1209 = arith.mulf %sub3A_1207, %sub3A_1207 : vector<16xf32>
      %add3A_1210 = arith.addf %mul3A_1208, %mul3A_1209 : vector<16xf32>
      %bitcast3A_1211 = vector.bitcast %add3A_1210 : vector<16xf32> to vector<16xi32>
      %shift_right_logical3A_1212 = arith.constant 1 : i32
      %shift_right_logical3A_1213 = vector.broadcast %shift_right_logical3A_1212 : i32 to vector<16xi32>
      %shift_right_logical3A_1214 = arith.shrui %bitcast3A_1211, %shift_right_logical3A_1213 : vector<16xi32>
      %sub3A_1215 = arith.constant 1597463007 : i32
      %sub3A_1216 = vector.broadcast %sub3A_1215 : i32 to vector<16xi32>
      %sub3A_1217 = arith.subi %sub3A_1216, %shift_right_logical3A_1214 : vector<16xi32>
      %bitcast3A_1218 = vector.bitcast %sub3A_1217 : vector<16xi32> to vector<16xf32>
      %mul3A_1219 = arith.constant 5.000000e-01 : f32
      %mul3A_1220 = vector.broadcast %mul3A_1219 : f32 to vector<16xf32>
      %mul3A_1221 = arith.mulf %mul3A_1220, %add3A_1210 : vector<16xf32>
      %mul3A_1222 = arith.mulf %mul3A_1221, %bitcast3A_1218 : vector<16xf32>
      %mul3A_1223 = arith.mulf %mul3A_1222, %bitcast3A_1218 : vector<16xf32>
      %sub3A_1224 = arith.constant 1.500000e+00 : f32
      %sub3A_1225 = vector.broadcast %sub3A_1224 : f32 to vector<16xf32>
      %sub3A_1226 = arith.subf %sub3A_1225, %mul3A_1223 : vector<16xf32>
      %mul3A_1227 = arith.mulf %bitcast3A_1218, %sub3A_1226 : vector<16xf32>
      %mul3A_1228 = arith.mulf %mul3A_1221, %mul3A_1227 : vector<16xf32>
      %mul3A_1229 = arith.mulf %mul3A_1228, %mul3A_1227 : vector<16xf32>
      %sub3A_1230 = arith.constant 1.500000e+00 : f32
      %sub3A_1231 = vector.broadcast %sub3A_1230 : f32 to vector<16xf32>
      %sub3A_1232 = arith.subf %sub3A_1231, %mul3A_1229 : vector<16xf32>
      %mul3A_1233 = arith.mulf %mul3A_1227, %sub3A_1232 : vector<16xf32>
      %mul3A_1234 = arith.mulf %mul3A_1221, %mul3A_1233 : vector<16xf32>
      %mul3A_1235 = arith.mulf %mul3A_1234, %mul3A_1233 : vector<16xf32>
      %sub3A_1236 = arith.constant 1.500000e+00 : f32
      %sub3A_1237 = vector.broadcast %sub3A_1236 : f32 to vector<16xf32>
      %sub3A_1238 = arith.subf %sub3A_1237, %mul3A_1235 : vector<16xf32>
      %mul3A_1239 = arith.mulf %mul3A_1233, %sub3A_1238 : vector<16xf32>
      %mul3A_1240 = arith.mulf %add3A_1210, %mul3A_1239 : vector<16xf32>
      %mul3A_1241 = arith.constant 5.000000e-01 : f32
      %mul3A_1242 = vector.broadcast %mul3A_1241 : f32 to vector<16xf32>
      %mul3A_1243 = arith.mulf %mul3A_1242, %mul3A_1240 : vector<16xf32>
      %sub3A_1244 = arith.subf %gather3A_22, %gather3A_1201 : vector<16xf32>
      %abs3A_1245 = math.absf %sub3A_1244 : vector<16xf32>
      %mul3A_1246 = arith.constant 5.000000e-01 : f32
      %mul3A_1247 = vector.broadcast %mul3A_1246 : f32 to vector<16xf32>
      %mul3A_1248 = arith.mulf %mul3A_1247, %abs3A_1245 : vector<16xf32>
      %add3A_1249 = arith.addf %mul3A_1243, %mul3A_1248 : vector<16xf32>
      %add3A_1250 = arith.constant 9.99999997E-7 : f32
      %add3A_1251 = vector.broadcast %add3A_1250 : f32 to vector<16xf32>
      %add3A_1252 = arith.addf %gather3A_1205, %add3A_1251 : vector<16xf32>
      %bitcast3A_1253 = vector.bitcast %add3A_1252 : vector<16xf32> to vector<16xi32>
      %shift_right_logical3A_1254 = arith.constant 23 : i32
      %shift_right_logical3A_1255 = vector.broadcast %shift_right_logical3A_1254 : i32 to vector<16xi32>
      %shift_right_logical3A_1256 = arith.shrui %bitcast3A_1253, %shift_right_logical3A_1255 : vector<16xi32>
      %sub3A_1257 = arith.constant 127 : i32
      %sub3A_1258 = vector.broadcast %sub3A_1257 : i32 to vector<16xi32>
      %sub3A_1259 = arith.subi %shift_right_logical3A_1256, %sub3A_1258 : vector<16xi32>
      %and3A_1260 = arith.constant 8388607 : i32
      %and3A_1261 = vector.broadcast %and3A_1260 : i32 to vector<16xi32>
      %and3A_1262 = arith.andi %bitcast3A_1253, %and3A_1261 : vector<16xi32>
      %or3A = arith.constant 1065353216 : i32
      %or3A_1263 = vector.broadcast %or3A : i32 to vector<16xi32>
      %or3A_1264 = arith.ori %and3A_1262, %or3A_1263 : vector<16xi32>
      %bitcast3A_1265 = vector.bitcast %or3A_1264 : vector<16xi32> to vector<16xf32>
      %gt3A = arith.constant 1.41421354 : f32
      %gt3A_1266 = vector.broadcast %gt3A : f32 to vector<16xf32>
      %gt3A_1267 = arith.cmpf ogt, %bitcast3A_1265, %gt3A_1266 : vector<16xf32>
      %mul3A_1268 = arith.constant 5.000000e-01 : f32
      %mul3A_1269 = vector.broadcast %mul3A_1268 : f32 to vector<16xf32>
      %mul3A_1270 = arith.mulf %mul3A_1269, %bitcast3A_1265 : vector<16xf32>
      %select_n3A_1271 = arith.select %gt3A_1267, %mul3A_1270, %bitcast3A_1265 : vector<16xi1>, vector<16xf32>
      %convert_element_type3A_1272 = arith.sitofp %sub3A_1259 : vector<16xi32> to vector<16xf32>
      %jit3A = arith.constant 1.000000e+00 : f32
      %jit3A_1273 = arith.constant 0.000000e+00 : f32
      %broadcast_in_dim3A_1274 = vector.broadcast %jit3A : f32 to vector<16xf32>
      %broadcast_in_dim3A_1275 = vector.broadcast %jit3A_1273 : f32 to vector<16xf32>
      %select_n3A_1276 = arith.select %gt3A_1267, %broadcast_in_dim3A_1274, %broadcast_in_dim3A_1275 : vector<16xi1>, vector<16xf32>
      %add3A_1277 = arith.addf %convert_element_type3A_1272, %select_n3A_1276 : vector<16xf32>
      %sub3A_1278 = arith.constant 1.000000e+00 : f32
      %sub3A_1279 = vector.broadcast %sub3A_1278 : f32 to vector<16xf32>
      %sub3A_1280 = arith.subf %select_n3A_1271, %sub3A_1279 : vector<16xf32>
      %add3A_1281 = arith.constant 1.000000e+00 : f32
      %add3A_1282 = vector.broadcast %add3A_1281 : f32 to vector<16xf32>
      %add3A_1283 = arith.addf %select_n3A_1271, %add3A_1282 : vector<16xf32>
      %div3A = arith.divf %sub3A_1280, %add3A_1283 : vector<16xf32>
      %mul3A_1284 = arith.mulf %div3A, %div3A : vector<16xf32>
      %mul3A_1285 = arith.constant 0.111111112 : f32
      %mul3A_1286 = vector.broadcast %mul3A_1285 : f32 to vector<16xf32>
      %mul3A_1287 = arith.mulf %mul3A_1284, %mul3A_1286 : vector<16xf32>
      %add3A_1288 = arith.constant 0.142857149 : f32
      %add3A_1289 = vector.broadcast %add3A_1288 : f32 to vector<16xf32>
      %add3A_1290 = arith.addf %add3A_1289, %mul3A_1287 : vector<16xf32>
      %mul3A_1291 = arith.mulf %mul3A_1284, %add3A_1290 : vector<16xf32>
      %add3A_1292 = arith.constant 2.000000e-01 : f32
      %add3A_1293 = vector.broadcast %add3A_1292 : f32 to vector<16xf32>
      %add3A_1294 = arith.addf %add3A_1293, %mul3A_1291 : vector<16xf32>
      %mul3A_1295 = arith.mulf %mul3A_1284, %add3A_1294 : vector<16xf32>
      %add3A_1296 = arith.constant 0.333333343 : f32
      %add3A_1297 = vector.broadcast %add3A_1296 : f32 to vector<16xf32>
      %add3A_1298 = arith.addf %add3A_1297, %mul3A_1295 : vector<16xf32>
      %mul3A_1299 = arith.mulf %mul3A_1284, %add3A_1298 : vector<16xf32>
      %add3A_1300 = arith.constant 1.000000e+00 : f32
      %add3A_1301 = vector.broadcast %add3A_1300 : f32 to vector<16xf32>
      %add3A_1302 = arith.addf %add3A_1301, %mul3A_1299 : vector<16xf32>
      %mul3A_1303 = arith.constant 0.693147182 : f32
      %mul3A_1304 = vector.broadcast %mul3A_1303 : f32 to vector<16xf32>
      %mul3A_1305 = arith.mulf %add3A_1277, %mul3A_1304 : vector<16xf32>
      %mul3A_1306 = arith.constant 2.000000e+00 : f32
      %mul3A_1307 = vector.broadcast %mul3A_1306 : f32 to vector<16xf32>
      %mul3A_1308 = arith.mulf %mul3A_1307, %div3A : vector<16xf32>
      %mul3A_1309 = arith.mulf %mul3A_1308, %add3A_1302 : vector<16xf32>
      %add3A_1310 = arith.addf %mul3A_1305, %mul3A_1309 : vector<16xf32>
      %sub3A_1311 = arith.subf %add3A_1249, %add3A_1310 : vector<16xf32>
      %jit3A_1312 = arith.constant 0.000000e+00 : f32
      %broadcast_in_dim3A_1313 = vector.broadcast %jit3A_1312 : f32 to vector<16xf32>
      %select_n3A_1314 = arith.select %lt3A_1186, %sub3A_1311, %broadcast_in_dim3A_1313 : vector<16xi1>, vector<16xf32>
      %reduce_sum3A = arith.constant true
      %reduce_sum3A_1315 = vector.broadcast %reduce_sum3A : i1 to vector<16xi1>
      %reduce_sum3A_1316 = tpu.scan <sum>, %select_n3A_1314 masked %reduce_sum3A_1315 : vector<16xf32>, vector<16xi1> -> vector<16xf32>
      %reduce_sum3A_1317 = vector.extract %reduce_sum3A_1316[15] : f32 from vector<16xf32>
      %broadcast_in_dim3A_1318 = arith.constant 0.000000e+00 : f32
      %broadcast_in_dim3A_1319 = vector.broadcast %broadcast_in_dim3A_1318 : f32 to vector<16xf32>
      %swap3A = arith.constant 0 : index
      %swap3A_1320 = tpu.vector_load %arg7[%swap3A] {strides = array<i32>} : memref<32xf32, #tpu.memory_space<vmem>>, vector<16xf32>,
      tpu.vector_store %arg7[%swap3A], %broadcast_in_dim3A_1319 {strides = array<i32>} : memref<32xf32, #tpu.memory_space<vmem>>, vector<16xf32>,
      %broadcast_in_dim3A_1321 = arith.constant 0.000000e+00 : f32
      %broadcast_in_dim3A_1322 = vector.broadcast %broadcast_in_dim3A_1321 : f32 to vector<16xf32>
      %swap3A_1323 = arith.constant 16 : index
      %swap3A_1324 = tpu.vector_load %arg7[%swap3A_1323] {strides = array<i32>} : memref<32xf32, #tpu.memory_space<vmem>>, vector<16xf32>,
      tpu.vector_store %arg7[%swap3A_1323], %broadcast_in_dim3A_1322 {strides = array<i32>} : memref<32xf32, #tpu.memory_space<vmem>>, vector<16xf32>,
      %broadcast_in_dim3A_1325 = arith.constant 1.000000e+00 : f32
      %broadcast_in_dim3A_1326 = vector.broadcast %broadcast_in_dim3A_1325 : f32 to vector<16xf32>
      tpu.vector_store_idx %arg7[%select_n3A_1183], %broadcast_in_dim3A_1326 masked %lt3A_1186 : memref<32xf32, #tpu.memory_space<vmem>>[vector<16xi32>], vector<16xf32>, vector<16xi1>
      %add3A_1327 = arith.constant 10 : i32
      %add3A_1328 = vector.broadcast %add3A_1327 : i32 to vector<16xi32>
      %add3A_1329 = arith.addi %mul3A_15, %add3A_1328 : vector<16xi32>
      %gather3A_1330 = tpu.vector_load_idx %arg5[%add3A_1329] : memref<144xf32, #tpu.memory_space<vmem>>[vector<16xi32>], vector<16xf32>,
      %add3A_1331 = arith.constant 74 : i32
      %add3A_1332 = vector.broadcast %add3A_1331 : i32 to vector<16xi32>
      %add3A_1333 = arith.addi %mul3A_15, %add3A_1332 : vector<16xi32>
      %gather3A_1334 = tpu.vector_load_idx %arg5[%add3A_1333] : memref<144xf32, #tpu.memory_space<vmem>>[vector<16xi32>], vector<16xf32>,
      %add3A_1335 = arith.constant 11 : i32
      %add3A_1336 = vector.broadcast %add3A_1335 : i32 to vector<16xi32>
      %add3A_1337 = arith.addi %mul3A_15, %add3A_1336 : vector<16xi32>
      %gather3A_1338 = tpu.vector_load_idx %arg5[%add3A_1337] : memref<144xf32, #tpu.memory_space<vmem>>[vector<16xi32>], vector<16xf32>,
      %add3A_1339 = arith.constant 75 : i32
      %add3A_1340 = vector.broadcast %add3A_1339 : i32 to vector<16xi32>
      %add3A_1341 = arith.addi %mul3A_15, %add3A_1340 : vector<16xi32>
      %gather3A_1342 = tpu.vector_load_idx %arg5[%add3A_1341] : memref<144xf32, #tpu.memory_space<vmem>>[vector<16xi32>], vector<16xf32>,
      %get3A = arith.constant 0 : index
      %get3A_1343 = tpu.vector_load %arg7[%get3A] {strides = array<i32>} : memref<32xf32, #tpu.memory_space<vmem>>, vector<16xf32>,
      %get3A_1344 = arith.constant 16 : index
      %get3A_1345 = tpu.vector_load %arg7[%get3A_1344] {strides = array<i32>} : memref<32xf32, #tpu.memory_space<vmem>>, vector<16xf32>,
      %sub3A_1346 = arith.constant 1.000000e+00 : f32
      %sub3A_1347 = vector.broadcast %sub3A_1346 : f32 to vector<16xf32>
      %sub3A_1348 = arith.subf %sub3A_1347, %gather3A_1338 : vector<16xf32>
      %add3A_1349 = arith.constant 9.99999997E-7 : f32
      %add3A_1350 = vector.broadcast %add3A_1349 : f32 to vector<16xf32>
      %add3A_1351 = arith.addf %sub3A_1348, %add3A_1350 : vector<16xf32>
      %bitcast3A_1352 = vector.bitcast %add3A_1351 : vector<16xf32> to vector<16xi32>
      %shift_right_logical3A_1353 = arith.constant 23 : i32
      %shift_right_logical3A_1354 = vector.broadcast %shift_right_logical3A_1353 : i32 to vector<16xi32>
      %shift_right_logical3A_1355 = arith.shrui %bitcast3A_1352, %shift_right_logical3A_1354 : vector<16xi32>
      %sub3A_1356 = arith.constant 127 : i32
      %sub3A_1357 = vector.broadcast %sub3A_1356 : i32 to vector<16xi32>
      %sub3A_1358 = arith.subi %shift_right_logical3A_1355, %sub3A_1357 : vector<16xi32>
      %and3A_1359 = arith.constant 8388607 : i32
      %and3A_1360 = vector.broadcast %and3A_1359 : i32 to vector<16xi32>
      %and3A_1361 = arith.andi %bitcast3A_1352, %and3A_1360 : vector<16xi32>
      %or3A_1362 = arith.constant 1065353216 : i32
      %or3A_1363 = vector.broadcast %or3A_1362 : i32 to vector<16xi32>
      %or3A_1364 = arith.ori %and3A_1361, %or3A_1363 : vector<16xi32>
      %bitcast3A_1365 = vector.bitcast %or3A_1364 : vector<16xi32> to vector<16xf32>
      %gt3A_1366 = arith.constant 1.41421354 : f32
      %gt3A_1367 = vector.broadcast %gt3A_1366 : f32 to vector<16xf32>
      %gt3A_1368 = arith.cmpf ogt, %bitcast3A_1365, %gt3A_1367 : vector<16xf32>
      %mul3A_1369 = arith.constant 5.000000e-01 : f32
      %mul3A_1370 = vector.broadcast %mul3A_1369 : f32 to vector<16xf32>
      %mul3A_1371 = arith.mulf %mul3A_1370, %bitcast3A_1365 : vector<16xf32>
      %select_n3A_1372 = arith.select %gt3A_1368, %mul3A_1371, %bitcast3A_1365 : vector<16xi1>, vector<16xf32>
      %convert_element_type3A_1373 = arith.sitofp %sub3A_1358 : vector<16xi32> to vector<16xf32>
      %jit3A_1374 = arith.constant 1.000000e+00 : f32
      %jit3A_1375 = arith.constant 0.000000e+00 : f32
      %broadcast_in_dim3A_1376 = vector.broadcast %jit3A_1374 : f32 to vector<16xf32>
      %broadcast_in_dim3A_1377 = vector.broadcast %jit3A_1375 : f32 to vector<16xf32>
      %select_n3A_1378 = arith.select %gt3A_1368, %broadcast_in_dim3A_1376, %broadcast_in_dim3A_1377 : vector<16xi1>, vector<16xf32>
      %add3A_1379 = arith.addf %convert_element_type3A_1373, %select_n3A_1378 : vector<16xf32>
      %sub3A_1380 = arith.constant 1.000000e+00 : f32
      %sub3A_1381 = vector.broadcast %sub3A_1380 : f32 to vector<16xf32>
      %sub3A_1382 = arith.subf %select_n3A_1372, %sub3A_1381 : vector<16xf32>
      %add3A_1383 = arith.constant 1.000000e+00 : f32
      %add3A_1384 = vector.broadcast %add3A_1383 : f32 to vector<16xf32>
      %add3A_1385 = arith.addf %select_n3A_1372, %add3A_1384 : vector<16xf32>
      %div3A_1386 = arith.divf %sub3A_1382, %add3A_1385 : vector<16xf32>
      %mul3A_1387 = arith.mulf %div3A_1386, %div3A_1386 : vector<16xf32>
      %mul3A_1388 = arith.constant 0.111111112 : f32
      %mul3A_1389 = vector.broadcast %mul3A_1388 : f32 to vector<16xf32>
      %mul3A_1390 = arith.mulf %mul3A_1387, %mul3A_1389 : vector<16xf32>
      %add3A_1391 = arith.constant 0.142857149 : f32
      %add3A_1392 = vector.broadcast %add3A_1391 : f32 to vector<16xf32>
      %add3A_1393 = arith.addf %add3A_1392, %mul3A_1390 : vector<16xf32>
      %mul3A_1394 = arith.mulf %mul3A_1387, %add3A_1393 : vector<16xf32>
      %add3A_1395 = arith.constant 2.000000e-01 : f32
      %add3A_1396 = vector.broadcast %add3A_1395 : f32 to vector<16xf32>
      %add3A_1397 = arith.addf %add3A_1396, %mul3A_1394 : vector<16xf32>
      %mul3A_1398 = arith.mulf %mul3A_1387, %add3A_1397 : vector<16xf32>
      %add3A_1399 = arith.constant 0.333333343 : f32
      %add3A_1400 = vector.broadcast %add3A_1399 : f32 to vector<16xf32>
      %add3A_1401 = arith.addf %add3A_1400, %mul3A_1398 : vector<16xf32>
      %mul3A_1402 = arith.mulf %mul3A_1387, %add3A_1401 : vector<16xf32>
      %add3A_1403 = arith.constant 1.000000e+00 : f32
      %add3A_1404 = vector.broadcast %add3A_1403 : f32 to vector<16xf32>
      %add3A_1405 = arith.addf %add3A_1404, %mul3A_1402 : vector<16xf32>
      %mul3A_1406 = arith.constant 0.693147182 : f32
      %mul3A_1407 = vector.broadcast %mul3A_1406 : f32 to vector<16xf32>
      %mul3A_1408 = arith.mulf %add3A_1379, %mul3A_1407 : vector<16xf32>
      %mul3A_1409 = arith.constant 2.000000e+00 : f32
      %mul3A_1410 = vector.broadcast %mul3A_1409 : f32 to vector<16xf32>
      %mul3A_1411 = arith.mulf %mul3A_1410, %div3A_1386 : vector<16xf32>
      %mul3A_1412 = arith.mulf %mul3A_1411, %add3A_1405 : vector<16xf32>
      %add3A_1413 = arith.addf %mul3A_1408, %mul3A_1412 : vector<16xf32>
      %neg3A = arith.constant 0.000000e+00 : f32
      %neg3A_1414 = vector.broadcast %neg3A : f32 to vector<16xf32>
      %neg3A_1415 = arith.subf %neg3A_1414, %add3A_1413 : vector<16xf32>
      %mul3A_1416 = arith.constant 5.000000e-01 : f32
      %mul3A_1417 = vector.broadcast %mul3A_1416 : f32 to vector<16xf32>
      %mul3A_1418 = arith.mulf %mul3A_1417, %gather3A_1330 : vector<16xf32>
      %add3A_1419 = arith.addf %neg3A_1415, %mul3A_1418 : vector<16xf32>
      %mul3A_1420 = arith.constant 5.000000e-01 : f32
      %mul3A_1421 = vector.broadcast %mul3A_1420 : f32 to vector<16xf32>
      %mul3A_1422 = arith.mulf %add3A_1419, %mul3A_1421 : vector<16xf32>
      %sub3A_1423 = arith.constant 1.000000e+00 : f32
      %sub3A_1424 = vector.broadcast %sub3A_1423 : f32 to vector<16xf32>
      %sub3A_1425 = arith.subf %sub3A_1424, %gather3A_1342 : vector<16xf32>
      %add3A_1426 = arith.constant 9.99999997E-7 : f32
      %add3A_1427 = vector.broadcast %add3A_1426 : f32 to vector<16xf32>
      %add3A_1428 = arith.addf %sub3A_1425, %add3A_1427 : vector<16xf32>
      %bitcast3A_1429 = vector.bitcast %add3A_1428 : vector<16xf32> to vector<16xi32>
      %shift_right_logical3A_1430 = arith.constant 23 : i32
      %shift_right_logical3A_1431 = vector.broadcast %shift_right_logical3A_1430 : i32 to vector<16xi32>
      %shift_right_logical3A_1432 = arith.shrui %bitcast3A_1429, %shift_right_logical3A_1431 : vector<16xi32>
      %sub3A_1433 = arith.constant 127 : i32
      %sub3A_1434 = vector.broadcast %sub3A_1433 : i32 to vector<16xi32>
      %sub3A_1435 = arith.subi %shift_right_logical3A_1432, %sub3A_1434 : vector<16xi32>
      %and3A_1436 = arith.constant 8388607 : i32
      %and3A_1437 = vector.broadcast %and3A_1436 : i32 to vector<16xi32>
      %and3A_1438 = arith.andi %bitcast3A_1429, %and3A_1437 : vector<16xi32>
      %or3A_1439 = arith.constant 1065353216 : i32
      %or3A_1440 = vector.broadcast %or3A_1439 : i32 to vector<16xi32>
      %or3A_1441 = arith.ori %and3A_1438, %or3A_1440 : vector<16xi32>
      %bitcast3A_1442 = vector.bitcast %or3A_1441 : vector<16xi32> to vector<16xf32>
      %gt3A_1443 = arith.constant 1.41421354 : f32
      %gt3A_1444 = vector.broadcast %gt3A_1443 : f32 to vector<16xf32>
      %gt3A_1445 = arith.cmpf ogt, %bitcast3A_1442, %gt3A_1444 : vector<16xf32>
      %mul3A_1446 = arith.constant 5.000000e-01 : f32
      %mul3A_1447 = vector.broadcast %mul3A_1446 : f32 to vector<16xf32>
      %mul3A_1448 = arith.mulf %mul3A_1447, %bitcast3A_1442 : vector<16xf32>
      %select_n3A_1449 = arith.select %gt3A_1445, %mul3A_1448, %bitcast3A_1442 : vector<16xi1>, vector<16xf32>
      %convert_element_type3A_1450 = arith.sitofp %sub3A_1435 : vector<16xi32> to vector<16xf32>
      %jit3A_1451 = arith.constant 1.000000e+00 : f32
      %jit3A_1452 = arith.constant 0.000000e+00 : f32
      %broadcast_in_dim3A_1453 = vector.broadcast %jit3A_1451 : f32 to vector<16xf32>
      %broadcast_in_dim3A_1454 = vector.broadcast %jit3A_1452 : f32 to vector<16xf32>
      %select_n3A_1455 = arith.select %gt3A_1445, %broadcast_in_dim3A_1453, %broadcast_in_dim3A_1454 : vector<16xi1>, vector<16xf32>
      %add3A_1456 = arith.addf %convert_element_type3A_1450, %select_n3A_1455 : vector<16xf32>
      %sub3A_1457 = arith.constant 1.000000e+00 : f32
      %sub3A_1458 = vector.broadcast %sub3A_1457 : f32 to vector<16xf32>
      %sub3A_1459 = arith.subf %select_n3A_1449, %sub3A_1458 : vector<16xf32>
      %add3A_1460 = arith.constant 1.000000e+00 : f32
      %add3A_1461 = vector.broadcast %add3A_1460 : f32 to vector<16xf32>
      %add3A_1462 = arith.addf %select_n3A_1449, %add3A_1461 : vector<16xf32>
      %div3A_1463 = arith.divf %sub3A_1459, %add3A_1462 : vector<16xf32>
      %mul3A_1464 = arith.mulf %div3A_1463, %div3A_1463 : vector<16xf32>
      %mul3A_1465 = arith.constant 0.111111112 : f32
      %mul3A_1466 = vector.broadcast %mul3A_1465 : f32 to vector<16xf32>
      %mul3A_1467 = arith.mulf %mul3A_1464, %mul3A_1466 : vector<16xf32>
      %add3A_1468 = arith.constant 0.142857149 : f32
      %add3A_1469 = vector.broadcast %add3A_1468 : f32 to vector<16xf32>
      %add3A_1470 = arith.addf %add3A_1469, %mul3A_1467 : vector<16xf32>
      %mul3A_1471 = arith.mulf %mul3A_1464, %add3A_1470 : vector<16xf32>
      %add3A_1472 = arith.constant 2.000000e-01 : f32
      %add3A_1473 = vector.broadcast %add3A_1472 : f32 to vector<16xf32>
      %add3A_1474 = arith.addf %add3A_1473, %mul3A_1471 : vector<16xf32>
      %mul3A_1475 = arith.mulf %mul3A_1464, %add3A_1474 : vector<16xf32>
      %add3A_1476 = arith.constant 0.333333343 : f32
      %add3A_1477 = vector.broadcast %add3A_1476 : f32 to vector<16xf32>
      %add3A_1478 = arith.addf %add3A_1477, %mul3A_1475 : vector<16xf32>
      %mul3A_1479 = arith.mulf %mul3A_1464, %add3A_1478 : vector<16xf32>
      %add3A_1480 = arith.constant 1.000000e+00 : f32
      %add3A_1481 = vector.broadcast %add3A_1480 : f32 to vector<16xf32>
      %add3A_1482 = arith.addf %add3A_1481, %mul3A_1479 : vector<16xf32>
      %mul3A_1483 = arith.constant 0.693147182 : f32
      %mul3A_1484 = vector.broadcast %mul3A_1483 : f32 to vector<16xf32>
      %mul3A_1485 = arith.mulf %add3A_1456, %mul3A_1484 : vector<16xf32>
      %mul3A_1486 = arith.constant 2.000000e+00 : f32
      %mul3A_1487 = vector.broadcast %mul3A_1486 : f32 to vector<16xf32>
      %mul3A_1488 = arith.mulf %mul3A_1487, %div3A_1463 : vector<16xf32>
      %mul3A_1489 = arith.mulf %mul3A_1488, %add3A_1482 : vector<16xf32>
      %add3A_1490 = arith.addf %mul3A_1485, %mul3A_1489 : vector<16xf32>
      %neg3A_1491 = arith.constant 0.000000e+00 : f32
      %neg3A_1492 = vector.broadcast %neg3A_1491 : f32 to vector<16xf32>
      %neg3A_1493 = arith.subf %neg3A_1492, %add3A_1490 : vector<16xf32>
      %mul3A_1494 = arith.constant 5.000000e-01 : f32
      %mul3A_1495 = vector.broadcast %mul3A_1494 : f32 to vector<16xf32>
      %mul3A_1496 = arith.mulf %mul3A_1495, %gather3A_1334 : vector<16xf32>
      %add3A_1497 = arith.addf %neg3A_1493, %mul3A_1496 : vector<16xf32>
      %mul3A_1498 = arith.constant 5.000000e-01 : f32
      %mul3A_1499 = vector.broadcast %mul3A_1498 : f32 to vector<16xf32>
      %mul3A_1500 = arith.mulf %add3A_1497, %mul3A_1499 : vector<16xf32>
      %eq3A_1501 = arith.constant 0.000000e+00 : f32
      %eq3A_1502 = vector.broadcast %eq3A_1501 : f32 to vector<16xf32>
      %eq3A_1503 = arith.cmpf oeq, %get3A_1343, %eq3A_1502 : vector<16xf32>
      %jit3A_1504 = arith.constant 0.000000e+00 : f32
      %broadcast_in_dim3A_1505 = vector.broadcast %jit3A_1504 : f32 to vector<16xf32>
      %select_n3A_1506 = arith.select %eq3A_1503, %mul3A_1422, %broadcast_in_dim3A_1505 : vector<16xi1>, vector<16xf32>
      %eq3A_1507 = arith.constant 0.000000e+00 : f32
      %eq3A_1508 = vector.broadcast %eq3A_1507 : f32 to vector<16xf32>
      %eq3A_1509 = arith.cmpf oeq, %get3A_1345, %eq3A_1508 : vector<16xf32>
      %lt3A_1510 = arith.constant 4 : i32
      %lt3A_1511 = vector.broadcast %lt3A_1510 : i32 to vector<16xi32>
      %lt3A_1512 = arith.cmpi slt, %iota3A, %lt3A_1511 : vector<16xi32>
      %and3A_1513 = arith.andi %eq3A_1509, %lt3A_1512 : vector<16xi1>
      %jit3A_1514 = arith.constant 0.000000e+00 : f32
      %broadcast_in_dim3A_1515 = vector.broadcast %jit3A_1514 : f32 to vector<16xf32>
      %select_n3A_1516 = arith.select %and3A_1513, %mul3A_1500, %broadcast_in_dim3A_1515 : vector<16xi1>, vector<16xf32>
      %add3A_1517 = arith.addf %select_n3A_1506, %select_n3A_1516 : vector<16xf32>
      %mul3A_1518 = arith.constant 0.0833333358 : f32
      %mul3A_1519 = arith.mulf %reduce_sum3A_1317, %mul3A_1518 : f32
      %reduce_sum3A_1520 = arith.constant true
      %reduce_sum3A_1521 = vector.broadcast %reduce_sum3A_1520 : i1 to vector<16xi1>
      %reduce_sum3A_1522 = tpu.scan <sum>, %add3A_1517 masked %reduce_sum3A_1521 : vector<16xf32>, vector<16xi1> -> vector<16xf32>
      %reduce_sum3A_1523 = vector.extract %reduce_sum3A_1522[15] : f32 from vector<16xf32>
      %mul3A_1524 = arith.constant 1.250000e-01 : f32
      %mul3A_1525 = arith.mulf %reduce_sum3A_1523, %mul3A_1524 : f32
      %add3A_1526 = arith.addf %mul3A_1519, %mul3A_1525 : f32
      %broadcast_in_dim3A_1527 = vector.broadcast %add3A_1526 : f32 to vector<16xf32>
      %swap3A_1528 = arith.constant 0 : index
      %swap3A_1529 = tpu.vector_load %arg8[%swap3A_1528] {strides = array<i32>} : memref<16xf32, #tpu.memory_space<vmem>>, vector<16xf32>,
      tpu.vector_store %arg8[%swap3A_1528], %broadcast_in_dim3A_1527 {strides = array<i32>} : memref<16xf32, #tpu.memory_space<vmem>>, vector<16xf32>,
      "tpu.region"() ({
        %run_scoped3A = tpu.sem_alloc : memref<!tpu.dma_semaphore, #tpu.memory_space<semaphore_mem>>
        tpu.enqueue_dma source(%arg8 : memref<16xf32, #tpu.memory_space<vmem>>) target(%arg4 : memref<16xf32, #tpu.memory_space<hbm>>) target_semaphore(%run_scoped3A : memref<!tpu.dma_semaphore, #tpu.memory_space<semaphore_mem>>)
        tpu.wait_dma2 semaphore(%run_scoped3A : memref<!tpu.dma_semaphore, #tpu.memory_space<semaphore_mem>>) src(%arg8 : memref<16xf32, #tpu.memory_space<vmem>>) dst(%arg4 : memref<16xf32, #tpu.memory_space<hbm>>)
        tpu.yield
      }) : () -> ()
    } else {
    }
    return
  }
}

</mosaic_0001>

<sc_bundles>
// kernel: kernel.3.cloned.1.call-start
scs
__scs_entry_jumppad:
0x0: {  	(pc) =	sbr.rel $0x88, $3  }
0x1: {  	(tag) =	ssettag $0x0;
	lr =	simm.s32 $0x1  }
0x2: {  	[smem:$0x3F9F] =	sst lr;
	_ =	strace $0xD0000000  }
0x3: {  	_ = 	snop  }
0x4: {  	_ = 	snop  }
0x5: {  	_ = 	snop  }
0x6: {  	_ = 	snop  }
0x7: {  	_ = 	snop  }
__scs_overlays_trampoline_lowered:
0x8: {  	[smem:$0x3FAE] =	sst s0  }
0x9: {  	[smem:$0x3FAF] =	sst s1  }
0xa: {  	[smem:$0x3FB0] =	sst s2  }
0xb: {  	[smem:$0x3FB1] =	sst s3  }
0xc: {  	[smem:$0x3FB2] =	sst s4  }
0xd: {  	[smem:$0x3FB3] =	sst s5  }
0xe: {  	[smem:$0x3FB4] =	sst s6  }
0xf: {  	[smem:$0x3FB5] =	sst s7  }
0x10: {  	[smem:$0x3FB6] =	sst s8  }
0x11: {  	[smem:$0x3FB7] =	sst s9;
	s0 =	simm.s32 @!p0 $0x0  }
0x12: {  	s1 =	sld [smem:$0x3F9D];
	s0 =	simm.s32 @p0 $0x1  }
0x13: {  	[smem:$0x3FB8] =	sst s0;
	s0 =	simm.s32 @!p1 $0x0  }
0x14: {  	s2 =	sld [smem:$0x3F9C];
	s0 =	simm.s32 @p1 $0x1  }
0x15: {  	[smem:$0x3FB9] =	sst s0;
	s0 =	simm.s32 @!p2 $0x0  }
0x16: {  	s3 =	sld [smem:$0x3FDB];
	s0 =	simm.s32 @p2 $0x1  }
0x17: {  	s4 =	simm.s32 $0x1BF5;
	[smem:$0x3FBB] =	sst s0  }
0x18: {  	s0 =	sld [smem:$0x3F9E];
	_ =	swait.ge [sflag:s4], $0x0  }
0x19: {  	s7 =	sld [smem:$0x3F9F]  }
0x1a: {  	s8 =	sadd.s32 $0xFFFFE003, lr  }
0x1b: {  	s9 =	sadd.s32 $0xFFFFFEF7, lr;
	s5 =	simm.s32 $0xFFFFFFFF;
	p2 =	slt.u32 s8, $0xFFFFF086  }
0x1c: {  	p1 =	slt.u32 s9, $0xF7A;
	s5 =	simm.s32 @!p2 $0x0  }
0x1d: {  	s5 =	simm.s32 @p1 $0x1;
	p0 =	seq.s32 s7, s2  }
0x1e: {  	s7 =	smul.u32 @!p0 $0xF7A, s2;
	p2 =	seq.s32 @!p0 s5, $0x0  }
0x1f: {  	s9 =	smul.u32 $0xF7A, s1;
	s8 =	simm.s32 @!p0 $0x1BF5;
	p2 =	por !p2, p0  }
0x20: {  	[sflag:s8] =	ssyncset.s32 @!p0 $0xFFFFF086;
	s6 =	sadd.s32 @!p0 s3, s7;
	s7 =	simm.s32 @!p0 $0x108  }
0x21: {  	s3 =	sadd.s32 s3, s9;
	s6 =	sadd.s32 @!p0 $0x88, s6;
	s7 =	simm.s32 @p2 $0x1082  }
0x22: {  	[simem:s7], [sflag:s8] =	dma.local @!p0 [hbm:s6], $0xF7A  }
0x23: {  	s9 =	sor.u32 $0xD0000000, s2;
	s6 =	simm.s32 $0x108;
	_ =	swait.ge @!p0 [sflag:s8], $0x0  }
0x24: {  	s3 =	sadd.s32 $0x88, s3;
	s6 =	simm.s32 @!p1 $0x1082;
	[sflag:s4] =	ssyncset.s32 $0xFFFFF086  }
0x25: {  	[simem:s6], [sflag:s4] =	dma.local [hbm:s3], $0xF7A  }
0x26: {  	[smem:$0x3F9F] =	sst s1;
	(tag) =	ssettag s2;
	_ =	strace s9  }
0x27: {  	s1 =	sld [smem:$0x3FAF]  }
0x28: {  	s2 =	sld [smem:$0x3FB0]  }
0x29: {  	s4 =	sld [smem:$0x3FB2]  }
0x2a: {  	p0 =	seq.s32 s5, $0x0;
	s5 =	sld [smem:$0x3FB3]  }
0x2b: {  	s6 =	sld [smem:$0x3FB4]  }
0x2c: {  	s7 =	sld [smem:$0x3FB5]  }
0x2d: {  	s3 =	simm.s32 $0x108;
	s8 =	sld [smem:$0x3FB6]  }
0x2e: {  	s3 =	simm.s32 @!p0 $0x1082;
	s9 =	sld [smem:$0x3FB7]  }
0x2f: {  	lr =	sadd.s32 s0, s3;
	s0 =	sld [smem:$0x3FAE]  }
0x30: {  	s3 =	sld [smem:$0x3FB1]  }
0x31: {  	[smem:$0x3FBA] =	sst s10  }
0x32: {  	s10 =	sld [smem:$0x3FB8];
	_ =	sdelay $0x3  }
0x33: {  	p0 =	seq.s32 s10, $0x1;
	s10 =	sld [smem:$0x3FBA];
	_ =	sdelay $0x3  }
0x34: {  	[smem:$0x3FBA] =	sst s10  }
0x35: {  	s10 =	sld [smem:$0x3FB9];
	_ =	sdelay $0x3  }
0x36: {  	p1 =	seq.s32 s10, $0x1;
	s10 =	sld [smem:$0x3FBA];
	_ =	sdelay $0x3  }
0x37: {  	[smem:$0x3FBA] =	sst s10  }
0x38: {  	s10 =	sld [smem:$0x3FBB]  }
0x39: {  	_ = 	snop;
	(pc) =	sbr.ind lr, $3  }
0x3a: {  	_ = 	snop  }
0x3b: {  	_ = 	snop  }
0x3c: {  	p2 =	seq.s32 s10, $0x1;
	s10 =	sld [smem:$0x3FBA]  }
0x3d: {  	_ =	shalt  }
0x3e: {  	_ =	shalt  }
0x3f: {  	_ =	shalt  }
0x40: {  	_ =	shalt  }
0x41: {  	_ =	shalt  }
0x42: {  	_ =	shalt  }
0x43: {  	_ =	shalt  }
0x44: {  	_ =	shalt  }
0x45: {  	_ =	shalt  }
0x46: {  	_ =	shalt  }
0x47: {  	_ =	shalt  }
0x48: {  	_ =	shalt  }
0x49: {  	_ =	shalt  }
0x4a: {  	_ =	shalt  }
0x4b: {  	_ =	shalt  }
0x4c: {  	_ =	shalt  }
0x4d: {  	_ =	shalt  }
0x4e: {  	_ =	shalt  }
0x4f: {  	_ =	shalt  }
0x50: {  	_ =	shalt  }
0x51: {  	_ =	shalt  }
0x52: {  	_ =	shalt  }
0x53: {  	_ =	shalt  }
0x54: {  	_ =	shalt  }
0x55: {  	_ =	shalt  }
0x56: {  	_ =	shalt  }
0x57: {  	_ =	shalt  }
0x58: {  	_ =	shalt  }
0x59: {  	_ =	shalt  }
0x5a: {  	_ =	shalt  }
0x5b: {  	_ =	shalt  }
0x5c: {  	_ =	shalt  }
0x5d: {  	_ =	shalt  }
0x5e: {  	_ =	shalt  }
0x5f: {  	_ =	shalt  }
0x60: {  	_ =	shalt  }
0x61: {  	_ =	shalt  }
0x62: {  	_ =	shalt  }
0x63: {  	_ =	shalt  }
0x64: {  	_ =	shalt  }
0x65: {  	_ =	shalt  }
0x66: {  	_ =	shalt  }
0x67: {  	_ =	shalt  }
0x68: {  	_ =	shalt  }
0x69: {  	_ =	shalt  }
0x6a: {  	_ =	shalt  }
0x6b: {  	_ =	shalt  }
0x6c: {  	_ =	shalt  }
0x6d: {  	_ =	shalt  }
0x6e: {  	_ =	shalt  }
0x6f: {  	_ =	shalt  }
0x70: {  	_ =	shalt  }
0x71: {  	_ =	shalt  }
0x72: {  	_ =	shalt  }
0x73: {  	_ =	shalt  }
0x74: {  	_ =	shalt  }
0x75: {  	_ =	shalt  }
0x76: {  	_ =	shalt  }
0x77: {  	_ =	shalt  }
0x78: {  	_ =	shalt  }
0x79: {  	_ =	shalt  }
0x7a: {  	_ =	shalt  }
0x7b: {  	_ =	shalt  }
0x7c: {  	_ =	shalt  }
0x7d: {  	_ =	shalt  }
0x7e: {  	_ =	shalt  }
0x7f: {  	_ =	shalt  }
0x80: {  	_ =	shalt  }
0x81: {  	_ =	shalt  }
0x82: {  	_ =	shalt  }
0x83: {  	_ =	shalt  }
0x84: {  	_ =	shalt  }
0x85: {  	_ =	shalt  }
0x86: {  	_ =	shalt  }
0x87: {  	_ =	shalt  }
.Lfunc_end0:
.L_simem_size_0:
called_computation_lowered:
.L_overlay_start_0:
0x88: {  	s0 =	sld [smem:$0x3FD9]  }
0x89: {  	s1 =	sld [smem:$0x3FFE];
	_ =	sdelay $0x3  }
0x8a: {  	s0 =	sadd.s32 s1, s0  }
0x8b: {  	[smem:$0x3FC6] =	sst s0  }
0x8c: {  	_ = 	snop  }
0x8d: {  	s0 =	sld [smem:$0x3FD0];
	(tm) =	ssettm $0x1  }
0x8e: {  	s16 =	sld [smem:$0x3FFB];
	_ =	sdelay $0x3  }
0x8f: {  	_ =	strace s16  }
0x90: {  	s1 =	sld [smem:$0x3FFC];
	_ =	sdelay $0x3  }
0x91: {  	_ =	strace s1  }
0x92: {  	s1 =	sld [smem:$0x3FFD];
	_ =	sdelay $0x3  }
0x93: {  	_ =	strace s1  }
0x94: {  	_ =	strace $0x8FFFFFFF  }
0x95: {  	s17 =	sld [smem:$0x3FDB];
	_ =	sdelay $0x1  }
0x96: {  	s2 =	simm.s32 $_scs_section_size  }
0x97: {  	s3 =	simm.s32 $_size__tile_overlayer_lowered;
	s4 =	simm.s32 $_tile_overlayer_lowered  }
0x98: {  	s20 =	simm.s32 $0x1BFF;
	s19 =	sshll.u32 s4, $0x1;
	s1 =	sadd.s32 s2, s17  }
0x99: {  	s5 =	simm.s32 $0x0;
	s18 =	sshll.u32 s3, $0x1;
	s3 =	sadd.s32 s19, s1  }
0x9a: {  	[timem:s5], [sflag:s20] =	dma.local [hbm:s3], s18  }
0x9b: {  	_ =	swait.ge [sflag:s20], s18  }
0x9c: {  	s2 =	ssub.s32 $0x0, s18;
	[sflag:s20] =	ssyncset.done $0x0  }
0x9d: {  	[sflag:s20] =	ssyncadd.s32 s2;
	_ =	sdelay $0x1  }
0x9e: {  	s21 =	simm.s32 $0x1B8B  }
0x9f: {  	_ =	swait.ge [sflag:s21], $0x1  }
0xa0: {  	[sflag:s21] =	ssyncset.done $0x0  }
0xa1: {  	s23 =	simm.s32 $0x1B8E;
	s22 =	sld [smem:$0x3FFE];
	[sflag:s21] =	ssyncadd.s32 $0xFFFFFFFF  }
0xa2: {  	s24 =	simm.s32 $execute0_lowered;
	[smem:$0x3FD2] =	sst s23  }
0xa3: {  	s3 =	sshll.u32 s24, $0x1;
	_ =	strace $0x80000046;
	[dreg:$0x1] =	wrdreg $0xFFFFFFFF  }
0xa4: {  	s25 =	simm.s32 $_size_execute0_lowered;
	s1 =	sadd.s32 s1, s3;
	[dreg:$0x0] =	wrdreg $0x0  }
0xa5: {  	s3 =	sshll.u32 s25, $0x1;
	[dreg:$0x2] =	wrdreg s1  }
0xa6: {  	[dreg:$0x3] =	wrdreg s3  }
0xa7: {  	[dreg:$0x4] =	wrdreg $0xC0  }
0xa8: {  	_ =	task [dreg:s5], $0x5FFFF  }
0xa9: {  	[dreg:$0x1] =	wrdreg $0xFFFFFFFF  }
0xaa: {  	[dreg:$0x0] =	wrdreg $0x60  }
0xab: {  	[dreg:$0x2] =	wrdreg s22  }
0xac: {  	[dreg:$0x3] =	wrdreg s0  }
0xad: {  	[dreg:$0x4] =	wrdreg $0x9  }
0xae: {  	_ =	task.clear_ibuf [dreg:s5], $0x5FFFF;
	_ =	strace $0x90000046  }
0xaf: {  	s26 =	simm.s32 $0x9;
	_ =	strace $0x80000048  }
0xb0: {  	_ =	swait.ge [sflag:s26], $0x1  }
0xb1: {  	[sflag:s26] =	ssyncadd.s32 $0xFFFFFFFF  }
0xb2: {  	_ =	strace $0x90000048  }
0xb3: {  	_ =	sfence  }
0xb4: {  	s28 =	sld [smem:$0x0];
	_ =	sdelay $0x1  }
0xb5: {  	s29 =	srdreg.scid  }
0xb6: {  	s30 =	sshll.u32 s29, $0xD;
	s31 =	sshrl.u32 s29, $0x2  }
0xb7: {  	s2 =	sand.u32 $0x4000, s30;
	s1 =	sand.u32 $0x1, s29;
	s0 =	sadd.s32 s31, s28  }
0xb8: {  	s1 =	sor.u32 s2, s1;
	s0 =	sshll.u32 s0, $0x11  }
0xb9: {  	s0 =	sor.u32 s0, s1  }
0xba: {  	s0 =	sadd.s32 $0x8F2B, s0  }
0xbb: {  	[sflag:s0] =	ssyncadd.remote.s32 $0x1  }
0xbc: {  	_ =	sfence.sel $0xFFFF  }
0xbd: {  	[dreg:$0x0] =	wrdreg $0xFFFFFFFF;
	(pc) =	sbr.abs _section_cstart, $3  }
0xbe: {  	[dreg:$0x1] =	wrdreg $0xFFFFFFFF  }
0xbf: {  	_ =	task.clear_ibuf [dreg:s5], $0x2FFFF;
	_ =	strace $0x9FFFFFFF  }
0xc0: {  	(tm) =	ssettm $0x7FFFFFFF  }
0xc1: {  	_ =	shalt  }
tec
execute0_lowered:
.L_overlay_start_1:
0x0: {  	(tag) =	ssettag $0x1  }
0x1: {  	s3 =	rddreg [dreg:$0x0]  }
0x2: {  	s1 =	rddreg [dreg:$0x1];
	s2 =	stileid.u32  }
0x3: {  	s0 =	rddreg [dreg:$0x2];
	_ =	strace $0x80000047;
	p0 =	sne.s32 s2, $0x0  }
0x4: {  	_ =	sfence.sel @p0 $0x180000  }
0x5: {  	[bflag:$0x0] =	sbarrier.arrive @p0 $0xFFFF  }
0x6: {  	_ =	strace @p0 $0x90000047  }
0x7: {  	[bflag:$0x2] =	sbarrier.arrive @p0 $0xFFFF  }
0x8: {  	_ =	shalt @p0  }
.LBB2_1:
0x9: {  	s4 =	sadd.s32 $0x600, s3;
	s2 =	simm.s32 $0x0;
	s5 =	simm.s32 $0x8;
	v0 =	vlaneseq.u32  }
0xa: {  	[tilespmem:s5], [sflag:$0x1] =	stream.linear.gather [hbm4b:s4+s2], $0x50, $0x38;
	v1 =	vmul.u32 $0x4, v0;
	[tilespmem:$0x280] =	vst v63  }
0xb: {  	s22 =	sadd.s32 $0x800, s3;
	s23 =	simm.s32 $0x100;
	s24 =	simm.s32 $0x2  }
0xc: {  	[tilespmem:s23], [sflag:$0x2] =	stream.linear.gather [hbm4b:s22+s2], $0x30, $0x38;
	v0 =	vor.u32 $0x1, v1;
	[tilespmem:$0x280] =	vst v63  }
0xd: {  	v4 =	vor.u32 $0x2, v1;
	_ =	swait.ge [sflag:s24], $0x30  }
0xe: {  	[sflag:s24] =	ssyncset.done $0x0  }
0xf: {  	[sflag:s24] =	ssyncadd.s32 $0xFFFFFFD0  }
0x10: {  	v5 =	vimm.s32 $0x8;
	v3 =	vld.idx.msk [tilespmem:v1+s23+$0x0], $0xffff  }
0x11: {  	s25 =	simm.s32 $0x1;
	v31 =	vimm.s32 $0x9;
	v2 =	vld.idx.msk [tilespmem:v0+s23+$0x0], $0xffff  }
0x12: {  	v0 =	vld.idx.msk [tilespmem:v4+s23+$0x0], $0xffff;
	_ =	swait.ge [sflag:s25], $0x50  }
0x13: {  	[sflag:s25] =	ssyncset.done $0x0  }
0x14: {  	[sflag:s25] =	ssyncadd.s32 $0xFFFFFFB0  }
0x15: {  	v5 =	vld.idx.msk [tilespmem:v5+s2+$0x0], $0xffff  }
0x16: {  	v4 =	vld.idx.msk [tilespmem:v31+s2+$0x0], $0xffff;
	_ =	sdelay $0x4  }
0x17: {  	v6 =	vimm.s32 $0xC;
	v5 =	vsub.f32 v3, v5;
	v4 =	vsub.f32 v2, v4  }
0x18: {  	v7 =	vimm.s32 $0xD  }
0x19: {  	v5 =	vmul.f32 v5, v5;
	v4 =	vmul.f32 v4, v4;
	_ =	sdelay $0x1  }
0x1a: {  	v4 =	vadd.f32 v4, v5  }
0x1b: {  	v6 =	vld.idx.msk [tilespmem:v6+s2+$0x0], $0xffff  }
0x1c: {  	v7 =	vld.idx.msk [tilespmem:v7+s2+$0x0], $0xffff;
	v5 =	vshrl.u32 v4, $0x1;
	v8 =	vmul.f32 $5.000000000e-01, v4  }
0x1d: {  	v5 =	vsub.s32 $0x5F3759DF, v5  }
0x1e: {  	v9 =	vmul.f32 v5, v8;
	_ =	sdelay $0x1  }
0x1f: {  	v10 =	vimm.s32 $0x11;
	v9 =	vmul.f32 v5, v9  }
0x20: {  	v14 =	vimm.s32 $0x15;
	v6 =	vsub.f32 v3, v6;
	v7 =	vsub.f32 v2, v7  }
0x21: {  	v15 =	vimm.s32 $0xA;
	v9 =	vsub.f32 $1.500000000e+00, v9  }
0x22: {  	v32 =	vimm.s32 $0x10;
	v6 =	vmul.f32 v6, v6;
	v7 =	vmul.f32 v7, v7  }
0x23: {  	v16 =	vimm.s32 $0x18;
	v5 =	vmul.f32 v5, v9  }
0x24: {  	v17 =	vimm.s32 $0x19;
	v10 =	vld.idx.msk [tilespmem:v10+s2+$0x0], $0xffff;
	v6 =	vadd.f32 v7, v6  }
0x25: {  	v36 =	vimm.s32 $0x14;
	v63 =	vimm.s32 $0x20;
	v14 =	vld.idx.msk [tilespmem:v14+s2+$0x0], $0xffff;
	v11 =	vmul.f32 v5, v8  }
0x26: {  	v45 =	vimm.s32 $0xE;
	v40 =	vld.idx.msk [tilespmem:v15+s2+$0x0], $0xffff;
	v34 =	vshrl.u32 v6, $0x1;
	v12 =	vmul.f32 $5.000000000e-01, v6  }
0x27: {  	v55 =	vimm.s32 $0x1C;
	v9 =	vld.idx.msk [tilespmem:v32+s2+$0x0], $0xffff;
	v33 =	vmul.f32 v11, v5;
	v11 =	vsub.s32 $0x5F3759DF, v34  }
0x28: {  	v56 =	vimm.s32 $0x1D;
	v58 =	vimm.s32 $0x12;
	v46 =	vld.idx.msk [tilespmem:v16+s2+$0x0], $0xffff;
	v13 =	vmul.f32 v11, v12  }
0x29: {  	v25 =	vimm.s32 $0x21;
	v29 =	vimm.s32 $0x16;
	v17 =	vld.idx.msk [tilespmem:v17+s2+$0x0], $0xffff;
	v7 =	vsub.f32 $1.500000000e+00, v33  }
0x2a: {  	v23 =	vimm.s32 $0x29;
	v31 =	vld.idx.msk [tilespmem:v63+s2+$0x0], $0xffff;
	v10 =	vsub.f32 v2, v10;
	v35 =	vmul.f32 v11, v13  }
0x2b: {  	v14 =	vsub.f32 v2, v14;
	v44 =	vsub.f32 v0, v40;
	v5 =	vmul.f32 v7, v5  }
0x2c: {  	v37 =	vld.idx.msk [tilespmem:v36+s2+$0x0], $0xffff;
	v10 =	vmul.f32 v10, v10;
	v9 =	vsub.f32 v3, v9;
	v7 =	vsub.f32 $1.500000000e+00, v35  }
0x2d: {  	v50 =	vsub.f32 v3, v46;
	v14 =	vmul.f32 v14, v14;
	v8 =	vmul.f32 v5, v8  }
0x2e: {  	v51 =	vsub.f32 v2, v17;
	v9 =	vmul.f32 v9, v9;
	v7 =	vmul.f32 v11, v7  }
0x2f: {  	v17 =	vld.idx.msk [tilespmem:v56+s2+$0x0], $0xffff;
	v40 =	vsub.f32 v3, v31;
	v53 =	vmul.f32 v50, v50;
	v8 =	vmul.f32 v8, v5  }
0x30: {  	v54 =	vmul.f32 v51, v51;
	v13 =	vld.idx.msk [tilespmem:v45+s2+$0x0], $0xffff;
	v9 =	vadd.f32 v10, v9;
	v38 =	vmul.f32 v7, v12  }
0x31: {  	v50 =	vimm.s32 $0x25;
	v11 =	vsub.f32 v3, v37;
	v8 =	vsub.f32 $1.500000000e+00, v8  }
0x32: {  	v41 =	vshrl.u32 v9, $0x1;
	v42 =	vmul.f32 $5.000000000e-01, v9;
	v39 =	vmul.f32 v38, v7  }
0x33: {  	v11 =	vmul.f32 v11, v11;
	v5 =	vmul.f32 v8, v5;
	v8 =	vsub.s32 $0x5F3759DF, v41  }
0x34: {  	v27 =	vsub.f32 v2, v17;
	v10 =	vsub.f32 $1.500000000e+00, v39;
	v43 =	vmul.f32 v8, v42  }
0x35: {  	v32 =	vimm.s32 $0x0;
	v13 =	vsub.f32 v0, v13;
	v11 =	vadd.f32 v14, v11  }
0x36: {  	v34 =	vld.idx.msk [tilespmem:v25+s2+$0x0], $0xffff;
	v25 =	vimm.s32 $0x1E;
	v7 =	vmul.f32 v10, v7;
	v10 =	vmul.f32 v8, v43  }
0x37: {  	v57 =	vand.u32 $0x7FFFFFFF, v13;
	v47 =	vshrl.u32 v11, $0x1;
	v18 =	vmul.f32 $5.000000000e-01, v11  }
0x38: {  	v4 =	vmul.f32 v5, v4;
	v5 =	vand.u32 $0x7FFFFFFF, v44;
	v10 =	vsub.f32 $1.500000000e+00, v10  }
0x39: {  	v16 =	vsub.s32 $0x5F3759DF, v47;
	v5 =	vmul.f32 $5.000000000e-01, v5;
	v12 =	vmul.f32 v7, v12  }
0x3a: {  	v14 =	vld.idx.msk [tilespmem:v55+s2+$0x0], $0xffff;
	v55 =	vimm.s32 $0x28;
	v48 =	vmul.f32 v16, v18;
	v8 =	vmul.f32 v8, v10  }
0x3b: {  	v41 =	vsub.f32 v2, v34;
	v4 =	vmul.f32 $5.000000000e-01, v4;
	v12 =	vmul.f32 v12, v7  }
0x3c: {  	v39 =	vimm.s32 $0x1A;
	v10 =	vmul.f32 v16, v48;
	v49 =	vmul.f32 v8, v42  }
0x3d: {  	v44 =	vmul.f32 v40, v40;
	v4 =	vadd.f32 v4, v5;
	v12 =	vsub.f32 $1.500000000e+00, v12  }
0x3e: {  	v52 =	vsub.f32 $1.500000000e+00, v10;
	v10 =	vadd.f32 v54, v53;
	v5 =	vmul.f32 v49, v8  }
0x3f: {  	v13 =	vld.idx.msk [tilespmem:v58+s2+$0x0], $0xffff;
	v45 =	vmul.f32 v41, v41;
	v26 =	vsub.f32 v3, v14;
	v7 =	vmul.f32 v12, v7  }
0x40: {  	v14 =	vmul.f32 v27, v27;
	v19 =	vmul.f32 $5.000000000e-01, v10;
	v5 =	vsub.f32 $1.500000000e+00, v5  }
0x41: {  	v48 =	vld.idx.msk [tilespmem:v39+s2+$0x0], $0xffff;
	v60 =	vshrl.u32 v10, $0x1;
	v6 =	vmul.f32 v7, v6;
	v7 =	vmul.f32 v16, v52  }
0x42: {  	v12 =	vmul.f32 $5.000000000e-01, v57;
	v16 =	vsub.s32 $0x5F3759DF, v60;
	v5 =	vmul.f32 v5, v8  }
0x43: {  	v34 =	vimm.s32 $0x22;
	v20 =	vmul.f32 v16, v19;
	v59 =	vmul.f32 v7, v18  }
0x44: {  	v30 =	vsub.f32 v0, v13;
	v6 =	vmul.f32 $5.000000000e-01, v6;
	v15 =	vmul.f32 v5, v42  }
0x45: {  	vm0 =	vlt.f32 v4, $1.000000020e+30;
	v62 =	vmul.f32 v16, v20;
	v8 =	vmul.f32 v59, v7  }
0x46: {  	v54 =	vsub.f32 v0, v48;
	v6 =	vadd.f32 v6, v12;
	v61 =	vmul.f32 v15, v5  }
0x47: {  	v4 =	vnsel vm0, $0x7149F2CA, v4;
	v24 =	vsub.f32 $1.500000000e+00, v62;
	v62 =	vld.idx.msk [tilespmem:v55+s2+$0x0], $0xffff;
	v8 =	vsub.f32 $1.500000000e+00, v8  }
0x48: {  	v49 =	vimm.s32 $0x24;
	v58 =	vand.u32 $0x7FFFFFFF, v54;
	v12 =	vsub.f32 $1.500000000e+00, v61  }
0x49: {  	v55 =	vimm.s32 $0x2A;
	vm0 =	vlt.f32 v6, v4;
	v7 =	vmul.f32 v8, v7  }
0x4a: {  	v4 =	vsel vm0, v6, v4;
	v8 =	vmul.f32 v16, v24;
	v5 =	vmul.f32 v12, v5  }
0x4b: {  	v42 =	vsel vm0, $0x1, v32;
	v16 =	vld.idx.msk [tilespmem:v29+s2+$0x0], $0xffff;
	v28 =	vmul.f32 v7, v18;
	v12 =	vmul.f32 v26, v26  }
0x4c: {  	v33 =	vmul.f32 v8, v19;
	v18 =	vld.idx.msk [tilespmem:v50+s2+$0x0], $0xffff;
	v26 =	vsub.f32 v3, v62;
	v50 =	vimm.s32 $0x26  }
0x4d: {  	v62 =	vimm.s32 $0x35;
	v5 =	vmul.f32 v5, v9;
	v6 =	vmul.f32 v28, v7  }
0x4e: {  	v12 =	vadd.f32 v14, v12;
	v9 =	vand.u32 $0x7FFFFFFF, v30;
	v35 =	vmul.f32 v33, v8  }
0x4f: {  	v28 =	vimm.s32 $0x2C;
	v30 =	vimm.s32 $0x2D;
	v9 =	vmul.f32 $5.000000000e-01, v9  }
0x50: {  	v46 =	vsub.f32 v0, v16;
	v5 =	vmul.f32 $5.000000000e-01, v5;
	v6 =	vsub.f32 $1.500000000e+00, v6  }
0x51: {  	v36 =	vshrl.u32 v12, $0x1;
	v37 =	vmul.f32 $5.000000000e-01, v12;
	v15 =	vsub.f32 $1.500000000e+00, v35  }
0x52: {  	v38 =	vsub.s32 $0x5F3759DF, v36;
	v13 =	vand.u32 $0x7FFFFFFF, v46;
	v6 =	vmul.f32 v6, v7  }
0x53: {  	v21 =	vmul.f32 v38, v37;
	v8 =	vmul.f32 v15, v8;
	v5 =	vadd.f32 v5, v9  }
0x54: {  	v9 =	vadd.f32 v45, v44;
	v13 =	vmul.f32 $5.000000000e-01, v13;
	v6 =	vmul.f32 v6, v11  }
0x55: {  	v17 =	vld.idx.msk [tilespmem:v25+s2+$0x0], $0xffff;
	v45 =	vimm.s32 $0x31;
	v43 =	vmul.f32 v38, v21;
	v47 =	vmul.f32 v8, v19  }
0x56: {  	v20 =	vld.idx.msk [tilespmem:v30+s2+$0x0], $0xffff;
	v51 =	vshrl.u32 v9, $0x1;
	v52 =	vmul.f32 $5.000000000e-01, v9;
	vm5 =	vlt.f32 v5, v4  }
0x57: {  	v11 =	vld.idx.msk [tilespmem:v49+s2+$0x0], $0xffff;
	v4 =	vsel vm5, v5, v4;
	v15 =	vsub.f32 $1.500000000e+00, v43;
	v16 =	vmul.f32 v47, v8  }
0x58: {  	v14 =	vsel vm5, $0x2, v42;
	v6 =	vmul.f32 $5.000000000e-01, v6;
	v43 =	vimm.s32 $0x30  }
0x59: {  	v7 =	vmul.f32 v38, v15;
	v16 =	vsub.f32 $1.500000000e+00, v16;
	v15 =	vsub.s32 $0x5F3759DF, v51  }
0x5a: {  	v56 =	vadd.f32 v6, v13;
	v38 =	vsub.f32 v0, v17;
	v22 =	vmul.f32 v15, v52  }
0x5b: {  	v41 =	vsub.f32 v2, v20;
	v53 =	vmul.f32 v7, v37;
	v8 =	vmul.f32 v16, v8  }
0x5c: {  	v63 =	vsub.f32 v3, v11;
	vm6 =	vlt.f32 v56, v4;
	v22 =	vmul.f32 v15, v22  }
0x5d: {  	v4 =	vsel vm6, v56, v4;
	v49 =	vld.idx.msk [tilespmem:v43+s2+$0x0], $0xffff;
	v21 =	vmul.f32 v53, v7;
	v57 =	vmul.f32 v8, v10  }
0x5e: {  	v5 =	vmul.f32 v63, v63;
	v14 =	vsel vm6, $0x3, v14;
	v8 =	vmul.f32 $5.000000000e-01, v58  }
0x5f: {  	v60 =	vsub.f32 $1.500000000e+00, v22;
	v22 =	vld.idx.msk [tilespmem:v23+s2+$0x0], $0xffff;
	v59 =	vsub.f32 $1.500000000e+00, v21;
	v6 =	vmul.f32 $5.000000000e-01, v57  }
0x60: {  	v43 =	vimm.s32 $0x3C;
	v21 =	vsub.f32 v2, v18;
	v57 =	vld.idx.msk [tilespmem:v50+s2+$0x0], $0xffff;
	v50 =	vimm.s32 $0x32  }
0x61: {  	v61 =	vmul.f32 v15, v60;
	v7 =	vmul.f32 v59, v7;
	v6 =	vadd.f32 v6, v8  }
0x62: {  	v15 =	vld.idx.msk [tilespmem:v28+s2+$0x0], $0xffff;
	v60 =	vimm.s32 $0x34;
	v11 =	vmul.f32 v21, v21;
	v17 =	vsub.f32 v3, v49  }
0x63: {  	v24 =	vmul.f32 v61, v52;
	v23 =	vmul.f32 v7, v37;
	vm7 =	vlt.f32 v6, v4  }
0x64: {  	v5 =	vadd.f32 v11, v5;
	v27 =	vsub.f32 v2, v22;
	v11 =	vmul.f32 v26, v26  }
0x65: {  	v59 =	vmul.f32 v17, v17;
	v16 =	vmul.f32 v24, v61;
	v4 =	vsel vm7, v6, v4  }
0x66: {  	v14 =	vsel vm7, $0x4, v14;
	v8 =	vmul.f32 v23, v7;
	v29 =	vmul.f32 $5.000000000e-01, v5  }
0x67: {  	v31 =	vshrl.u32 v5, $0x1;
	v13 =	vmul.f32 v27, v27;
	v15 =	vsub.f32 v3, v15  }
0x68: {  	v23 =	vsub.f32 v0, v57;
	v16 =	vsub.f32 $1.500000000e+00, v16;
	v32 =	vsub.s32 $0x5F3759DF, v31  }
0x69: {  	v8 =	vsub.f32 $1.500000000e+00, v8;
	v33 =	vmul.f32 v32, v29;
	v11 =	vadd.f32 v13, v11  }
0x6a: {  	v31 =	vimm.s32 $0x38;
	v15 =	vmul.f32 v15, v15;
	v10 =	vmul.f32 v16, v61  }
0x6b: {  	v20 =	vld.idx.msk [tilespmem:v62+s2+$0x0], $0xffff;
	v7 =	vmul.f32 v8, v7;
	v6 =	vmul.f32 v32, v33;
	v36 =	vshrl.u32 v11, $0x1  }
0x6c: {  	v37 =	vmul.f32 $5.000000000e-01, v11;
	v8 =	vld.idx.msk [tilespmem:v34+s2+$0x0], $0xffff;
	v33 =	vimm.s32 $0x39;
	v35 =	vmul.f32 v10, v52  }
0x6d: {  	v39 =	vsub.s32 $0x5F3759DF, v36;
	v7 =	vmul.f32 v7, v12;
	v6 =	vsub.f32 $1.500000000e+00, v6  }
0x6e: {  	v19 =	vmul.f32 v39, v37;
	v12 =	vand.u32 $0x7FFFFFFF, v38;
	v13 =	vmul.f32 v35, v10  }
0x6f: {  	v36 =	vimm.s32 $0x2E;
	v12 =	vmul.f32 $5.000000000e-01, v12;
	v6 =	vmul.f32 v32, v6  }
0x70: {  	v35 =	vsub.f32 v2, v20;
	v40 =	vmul.f32 v39, v19;
	v19 =	vmul.f32 v41, v41  }
0x71: {  	v7 =	vmul.f32 $5.000000000e-01, v7;
	v13 =	vsub.f32 $1.500000000e+00, v13;
	v8 =	vsub.f32 v0, v8  }
0x72: {  	v42 =	vmul.f32 v6, v29;
	v16 =	vsub.f32 $1.500000000e+00, v40;
	v15 =	vadd.f32 v19, v15  }
0x73: {  	v7 =	vadd.f32 v7, v12;
	v10 =	vmul.f32 v13, v10;
	v8 =	vand.u32 $0x7FFFFFFF, v8  }
0x74: {  	v13 =	vld.idx.msk [tilespmem:v45+s2+$0x0], $0xffff;
	v44 =	vmul.f32 v42, v6;
	v46 =	vmul.f32 v39, v16;
	v47 =	vshrl.u32 v15, $0x1  }
0x75: {  	v19 =	vmul.f32 $5.000000000e-01, v15;
	vm8 =	vlt.f32 v7, v4;
	v8 =	vmul.f32 $5.000000000e-01, v8  }
0x76: {  	v9 =	vmul.f32 v10, v9;
	v48 =	vsub.s32 $0x5F3759DF, v47;
	v10 =	vsub.f32 $1.500000000e+00, v44  }
0x77: {  	v28 =	vld.idx.msk [tilespmem:v60+s2+$0x0], $0xffff;
	v4 =	vsel vm8, v7, v4;
	v16 =	vmul.f32 v46, v37;
	v51 =	vmul.f32 v48, v19  }
0x78: {  	v14 =	vsel vm8, $0x5, v14;
	v9 =	vmul.f32 $5.000000000e-01, v9;
	v6 =	vmul.f32 v10, v6  }
0x79: {  	v63 =	vld.idx.msk [tilespmem:v55+s2+$0x0], $0xffff;
	v16 =	vmul.f32 v16, v46;
	v53 =	vmul.f32 v48, v51;
	v13 =	vsub.f32 v2, v13  }
0x7a: {  	v44 =	vimm.s32 $0x3D;
	v8 =	vadd.f32 v9, v8;
	v18 =	vmul.f32 v6, v29  }
0x7b: {  	v52 =	vsub.f32 $1.500000000e+00, v16;
	v56 =	vsub.f32 $1.500000000e+00, v53;
	v13 =	vmul.f32 v13, v13  }
0x7c: {  	v16 =	vsub.f32 v3, v28;
	v28 =	vimm.s32 $0x3A;
	v54 =	vmul.f32 v18, v6  }
0x7d: {  	vm9 =	vlt.f32 v8, v4;
	v7 =	vmul.f32 v52, v46;
	v10 =	vmul.f32 v48, v56  }
0x7e: {  	v4 =	vsel vm9, v8, v4;
	v12 =	vadd.f32 v13, v59;
	v8 =	vsub.f32 v0, v63  }
0x7f: {  	v16 =	vmul.f32 v16, v16;
	v14 =	vsel vm9, $0x6, v14;
	v9 =	vsub.f32 $1.500000000e+00, v54  }
0x80: {  	v58 =	vmul.f32 v7, v37;
	v22 =	vmul.f32 v10, v19;
	v8 =	vand.u32 $0x7FFFFFFF, v8  }
0x81: {  	v52 =	vld.idx.msk [tilespmem:v44+s2+$0x0], $0xffff;
	v25 =	vshrl.u32 v12, $0x1;
	v26 =	vmul.f32 $5.000000000e-01, v12;
	v8 =	vmul.f32 $5.000000000e-01, v8  }
0x82: {  	v27 =	vsub.s32 $0x5F3759DF, v25;
	v6 =	vmul.f32 v9, v6;
	v61 =	vmul.f32 v58, v7  }
0x83: {  	v56 =	vimm.s32 $0x40;
	v24 =	vmul.f32 v22, v10;
	v29 =	vmul.f32 v27, v26  }
0x84: {  	v58 =	vimm.s32 $0x41;
	v5 =	vmul.f32 v6, v5;
	v9 =	vsub.f32 $1.500000000e+00, v61  }
0x85: {  	v38 =	vld.idx.msk [tilespmem:v33+s2+$0x0], $0xffff;
	v6 =	vand.u32 $0x7FFFFFFF, v23;
	v13 =	vsub.f32 $1.500000000e+00, v24;
	v30 =	vmul.f32 v27, v29  }
0x86: {  	v18 =	vsub.f32 v2, v52;
	v6 =	vmul.f32 $5.000000000e-01, v6;
	v7 =	vmul.f32 v9, v7  }
0x87: {  	v52 =	vimm.s32 $0x49;
	v5 =	vmul.f32 $5.000000000e-01, v5;
	v10 =	vmul.f32 v13, v10  }
0x88: {  	v24 =	vimm.s32 $0x36;
	v18 =	vmul.f32 v18, v18;
	v13 =	vld.idx.msk [tilespmem:v31+s2+$0x0], $0xffff;
	v7 =	vmul.f32 v7, v11  }
0x89: {  	v5 =	vadd.f32 v5, v6;
	v34 =	vmul.f32 v10, v19;
	v11 =	vsub.f32 $1.500000000e+00, v30  }
0x8a: {  	v19 =	vmul.f32 v35, v35;
	v6 =	vsub.f32 v2, v38;
	v32 =	vmul.f32 $5.000000000e-01, v7  }
0x8b: {  	vm1 =	vlt.f32 v5, v4;
	v17 =	vmul.f32 v34, v10;
	v9 =	vmul.f32 v27, v11  }
0x8c: {  	v16 =	vadd.f32 v19, v16;
	v6 =	vmul.f32 v6, v6;
	v27 =	vimm.s32 $0x45  }
0x8d: {  	v11 =	vld.idx.msk [tilespmem:v36+s2+$0x0], $0xffff;
	v4 =	vsel vm1, v5, v4;
	v14 =	vsel vm1, $0x7, v14;
	v13 =	vsub.f32 v3, v13  }
0x8e: {  	v49 =	vld.idx.msk [tilespmem:v43+s2+$0x0], $0xffff;
	v37 =	vadd.f32 v32, v8;
	v39 =	vsub.f32 $1.500000000e+00, v17;
	v40 =	vmul.f32 v9, v26  }
0x8f: {  	v41 =	vshrl.u32 v16, $0x1;
	v42 =	vmul.f32 $5.000000000e-01, v16;
	v46 =	vmul.f32 v13, v13  }
0x90: {  	vm10 =	vlt.f32 v37, v4;
	v7 =	vmul.f32 v39, v10;
	v10 =	vsub.s32 $0x5F3759DF, v41  }
0x91: {  	v8 =	vmul.f32 v40, v9;
	v41 =	vimm.s32 $0x3E;
	v45 =	vmul.f32 v10, v42  }
0x92: {  	v47 =	vsel vm10, $0x8, v14;
	v11 =	vsub.f32 v0, v11;
	v5 =	vadd.f32 v6, v46  }
0x93: {  	v6 =	vsub.f32 v3, v49;
	v7 =	vmul.f32 v7, v15;
	v8 =	vsub.f32 $1.500000000e+00, v8  }
0x94: {  	v14 =	vld.idx.msk [tilespmem:v50+s2+$0x0], $0xffff;
	v48 =	vmul.f32 v10, v45;
	v11 =	vand.u32 $0x7FFFFFFF, v11;
	v54 =	vmul.f32 $5.000000000e-01, v5  }
0x95: {  	v53 =	vshrl.u32 v5, $0x1;
	v6 =	vmul.f32 v6, v6;
	v8 =	vmul.f32 v8, v9  }
0x96: {  	v63 =	vld.idx.msk [tilespmem:v58+s2+$0x0], $0xffff;
	v7 =	vmul.f32 $5.000000000e-01, v7;
	v55 =	vsub.s32 $0x5F3759DF, v53;
	v11 =	vmul.f32 $5.000000000e-01, v11  }
0x97: {  	v4 =	vsel vm10, v37, v4;
	v9 =	vsub.f32 $1.500000000e+00, v48;
	v19 =	vmul.f32 v55, v54  }
0x98: {  	v6 =	vadd.f32 v18, v6;
	v51 =	vmul.f32 v8, v26;
	v7 =	vadd.f32 v7, v11  }
0x99: {  	v14 =	vsub.f32 v0, v14;
	v26 =	vimm.s32 $0x44;
	v9 =	vmul.f32 v10, v9  }
0x9a: {  	v19 =	vmul.f32 v55, v19;
	v23 =	vshrl.u32 v6, $0x1;
	v18 =	vmul.f32 $5.000000000e-01, v6  }
0x9b: {  	v10 =	vsub.f32 v2, v63;
	v63 =	vimm.s32 $0x42;
	v15 =	vmul.f32 v51, v8  }
0x9c: {  	vm11 =	vlt.f32 v7, v4;
	v14 =	vand.u32 $0x7FFFFFFF, v14;
	v51 =	vimm.s32 $0x48  }
0x9d: {  	v57 =	vmul.f32 v9, v42;
	v60 =	vsub.f32 $1.500000000e+00, v19;
	v4 =	vsel vm11, v7, v4  }
0x9e: {  	v61 =	vld.idx.msk [tilespmem:v56+s2+$0x0], $0xffff;
	v10 =	vmul.f32 v10, v10;
	v14 =	vmul.f32 $5.000000000e-01, v14;
	v15 =	vsub.f32 $1.500000000e+00, v15  }
0x9f: {  	v13 =	vsel vm11, $0x9, v47;
	v19 =	vld.idx.msk [tilespmem:v24+s2+$0x0], $0xffff;
	v59 =	vmul.f32 v57, v9;
	v62 =	vmul.f32 v55, v60  }
0xa0: {  	v24 =	vimm.s32 $0x50;
	v57 =	vimm.s32 $0x4D;
	v8 =	vmul.f32 v15, v8  }
0xa1: {  	v15 =	vsub.s32 $0x5F3759DF, v23;
	v11 =	vsub.f32 $1.500000000e+00, v59;
	v22 =	vmul.f32 v62, v54  }
0xa2: {  	v55 =	vimm.s32 $0x4C;
	v25 =	vmul.f32 v15, v18;
	v8 =	vmul.f32 v8, v12  }
0xa3: {  	v34 =	vld.idx.msk [tilespmem:v26+s2+$0x0], $0xffff;
	v12 =	vsub.f32 v3, v61;
	v9 =	vmul.f32 v11, v9;
	v11 =	vmul.f32 v22, v62  }
0xa4: {  	v19 =	vsub.f32 v0, v19;
	v21 =	vmul.f32 v15, v25;
	v8 =	vmul.f32 $5.000000000e-01, v8  }
0xa5: {  	v26 =	vimm.s32 $0x51;
	v58 =	vld.idx.msk [tilespmem:v51+s2+$0x0], $0xffff;
	v12 =	vmul.f32 v12, v12;
	v17 =	vmul.f32 v9, v42  }
0xa6: {  	v38 =	vand.u32 $0x7FFFFFFF, v19;
	v25 =	vld.idx.msk [tilespmem:v57+s2+$0x0], $0xffff;
	v11 =	vsub.f32 $1.500000000e+00, v11;
	v21 =	vsub.f32 $1.500000000e+00, v21  }
0xa7: {  	v10 =	vadd.f32 v10, v12;
	v8 =	vadd.f32 v8, v14;
	v12 =	vld.idx.msk [tilespmem:v28+s2+$0x0], $0xffff;
	v17 =	vmul.f32 v17, v9  }
0xa8: {  	v42 =	vsub.f32 v3, v34;
	v14 =	vld.idx.msk [tilespmem:v41+s2+$0x0], $0xffff;
	v7 =	vmul.f32 v11, v62;
	v15 =	vmul.f32 v15, v21  }
0xa9: {  	v11 =	vld.idx.msk [tilespmem:v27+s2+$0x0], $0xffff;
	v30 =	vshrl.u32 v10, $0x1;
	v31 =	vmul.f32 $5.000000000e-01, v10;
	vm12 =	vlt.f32 v8, v4  }
0xaa: {  	v62 =	vld.idx.msk [tilespmem:v52+s2+$0x0], $0xffff;
	v17 =	vsub.f32 $1.500000000e+00, v17;
	v29 =	vmul.f32 v7, v54;
	v33 =	vsub.s32 $0x5F3759DF, v30  }
0xab: {  	v35 =	vmul.f32 v15, v18;
	v4 =	vsel vm12, v8, v4;
	v36 =	vmul.f32 v33, v31  }
0xac: {  	v34 =	vsub.f32 v2, v25;
	v9 =	vmul.f32 v17, v9;
	v32 =	vmul.f32 v29, v7  }
0xad: {  	v39 =	vmul.f32 v35, v15;
	v12 =	vsub.f32 v0, v12;
	v54 =	vsub.f32 v0, v14  }
0xae: {  	v29 =	vsub.f32 v3, v58;
	v58 =	vimm.s32 $0x46;
	v40 =	vmul.f32 v33, v36  }
0xaf: {  	v14 =	vld.idx.msk [tilespmem:v55+s2+$0x0], $0xffff;
	v11 =	vsub.f32 v2, v11;
	v30 =	vsub.f32 v2, v62;
	v9 =	vmul.f32 v9, v16  }
0xb0: {  	v37 =	vsub.f32 $1.500000000e+00, v32;
	v16 =	vmul.f32 $5.000000000e-01, v38;
	v19 =	vsub.f32 $1.500000000e+00, v39  }
0xb1: {  	v22 =	vsub.f32 $1.500000000e+00, v40;
	v11 =	vmul.f32 v11, v11;
	v40 =	vmul.f32 v34, v34  }
0xb2: {  	v36 =	vimm.s32 $0x55;
	v9 =	vmul.f32 $5.000000000e-01, v9;
	v7 =	vmul.f32 v37, v7  }
0xb3: {  	v46 =	vand.u32 $0x7FFFFFFF, v12;
	v43 =	vmul.f32 v19, v15;
	v44 =	vmul.f32 v33, v22  }
0xb4: {  	v14 =	vsub.f32 v3, v14;
	v5 =	vmul.f32 v7, v5;
	v7 =	vmul.f32 v42, v42  }
0xb5: {  	v9 =	vadd.f32 v9, v16;
	v45 =	vmul.f32 v43, v18;
	v17 =	vmul.f32 v44, v31  }
0xb6: {  	v39 =	vmul.f32 v14, v14;
	v5 =	vmul.f32 $5.000000000e-01, v5;
	v7 =	vadd.f32 v11, v7  }
0xb7: {  	v59 =	vand.u32 $0x7FFFFFFF, v54;
	v47 =	vmul.f32 v45, v43;
	v11 =	vmul.f32 $5.000000000e-01, v46  }
0xb8: {  	vm2 =	vlt.f32 v9, v4;
	v48 =	vmul.f32 v17, v44;
	v49 =	vshrl.u32 v7, $0x1  }
0xb9: {  	v35 =	vld.idx.msk [tilespmem:v26+s2+$0x0], $0xffff;
	v50 =	vmul.f32 $5.000000000e-01, v7;
	v12 =	vsub.f32 $1.500000000e+00, v47;
	v5 =	vadd.f32 v5, v11  }
0xba: {  	v4 =	vsel vm2, v9, v4;
	v17 =	vsub.s32 $0x5F3759DF, v49;
	v16 =	vsub.f32 $1.500000000e+00, v48  }
0xbb: {  	v53 =	vmul.f32 v17, v50;
	v8 =	vmul.f32 v12, v43;
	vm13 =	vlt.f32 v5, v4  }
0xbc: {  	v15 =	vmul.f32 v16, v44;
	v4 =	vsel vm13, v5, v4;
	v5 =	vmul.f32 v29, v29  }
0xbd: {  	v33 =	vimm.s32 $0x54;
	v56 =	vmul.f32 v17, v53;
	v6 =	vmul.f32 v8, v6  }
0xbe: {  	v45 =	vsub.f32 v2, v35;
	v46 =	vld.idx.msk [tilespmem:v36+s2+$0x0], $0xffff;
	v8 =	vmul.f32 v30, v30;
	v60 =	vmul.f32 v15, v31  }
0xbf: {  	v32 =	vld.idx.msk [tilespmem:v24+s2+$0x0], $0xffff;
	v9 =	vmul.f32 $5.000000000e-01, v59;
	v61 =	vsub.f32 $1.500000000e+00, v56;
	v6 =	vmul.f32 $5.000000000e-01, v6  }
0xc0: {  	v16 =	vmul.f32 v45, v45;
	v5 =	vadd.f32 v8, v5;
	v11 =	vmul.f32 v60, v15  }
0xc1: {  	v31 =	vld.idx.msk [tilespmem:v63+s2+$0x0], $0xffff;
	v8 =	vadd.f32 v40, v39;
	v12 =	vmul.f32 v17, v61;
	v6 =	vadd.f32 v6, v9  }
0xc2: {  	v44 =	vld.idx.msk [tilespmem:v33+s2+$0x0], $0xffff;
	v42 =	vshrl.u32 v5, $0x1;
	v43 =	vmul.f32 $5.000000000e-01, v5;
	v27 =	vsub.f32 $1.500000000e+00, v11  }
0xc3: {  	v48 =	vmul.f32 $5.000000000e-01, v8;
	v17 =	vsub.f32 v2, v46;
	v28 =	vmul.f32 v12, v50  }
0xc4: {  	v49 =	vshrl.u32 v8, $0x1;
	v9 =	vmul.f32 v27, v15;
	v15 =	vsub.f32 v3, v32  }
0xc5: {  	vm14 =	vlt.f32 v6, v4;
	v17 =	vmul.f32 v17, v17;
	v11 =	vmul.f32 v28, v12  }
0xc6: {  	v41 =	vsub.f32 v0, v31;
	v37 =	vmul.f32 v9, v10;
	v15 =	vmul.f32 v15, v15  }
0xc7: {  	v4 =	vsel vm14, v6, v4;
	v10 =	vsub.f32 v3, v44;
	v38 =	vsub.f32 $1.500000000e+00, v11  }
0xc8: {  	v11 =	vand.u32 $0x7FFFFFFF, v41;
	v6 =	vmul.f32 $5.000000000e-01, v37;
	v15 =	vadd.f32 v16, v15  }
0xc9: {  	v10 =	vmul.f32 v10, v10;
	v9 =	vmul.f32 v38, v12;
	v12 =	vsub.s32 $0x5F3759DF, v42  }
0xca: {  	v21 =	vsub.s32 $0x5F3759DF, v49;
	v11 =	vmul.f32 $5.000000000e-01, v11;
	v47 =	vmul.f32 v12, v43  }
0xcb: {  	v54 =	vmul.f32 $5.000000000e-01, v15;
	v55 =	vshrl.u32 v15, $0x1;
	v10 =	vadd.f32 v17, v10  }
0xcc: {  	v18 =	vmul.f32 v9, v50;
	v50 =	vmul.f32 v21, v48;
	v57 =	vsub.s32 $0x5F3759DF, v55  }
0xcd: {  	v19 =	vmul.f32 v12, v47;
	v24 =	vmul.f32 v57, v54  }
0xce: {  	v61 =	vshrl.u32 v10, $0x1;
	v51 =	vmul.f32 v18, v9;
	v53 =	vmul.f32 v21, v50  }
0xcf: {  	v25 =	vmul.f32 $5.000000000e-01, v10;
	v52 =	vsub.f32 $1.500000000e+00, v19;
	v60 =	vmul.f32 v57, v24  }
0xd0: {  	v24 =	vsub.s32 $0x5F3759DF, v61;
	v56 =	vsub.f32 $1.500000000e+00, v53;
	v16 =	vsub.f32 $1.500000000e+00, v51  }
0xd1: {  	v29 =	vimm.s32 $0x4A;
	v63 =	vld.idx.msk [tilespmem:v58+s2+$0x0], $0xffff;
	v26 =	vmul.f32 v24, v25;
	v12 =	vmul.f32 v12, v52  }
0xd2: {  	v31 =	vimm.s32 $0x4E;
	v18 =	vmul.f32 v21, v56;
	v9 =	vmul.f32 v16, v9  }
0xd3: {  	v21 =	vsub.f32 $1.500000000e+00, v60;
	v28 =	vmul.f32 v24, v26;
	v59 =	vmul.f32 v12, v43  }
0xd4: {  	v38 =	vimm.s32 $0x56;
	v62 =	vmul.f32 v18, v48;
	v7 =	vmul.f32 v9, v7  }
0xd5: {  	v6 =	vadd.f32 v6, v11;
	v27 =	vmul.f32 v57, v21;
	v17 =	vmul.f32 v59, v12  }
0xd6: {  	v19 =	vsub.f32 $1.500000000e+00, v28;
	v9 =	vsub.f32 v0, v63;
	v23 =	vmul.f32 v62, v18  }
0xd7: {  	v35 =	vld.idx.msk [tilespmem:v31+s2+$0x0], $0xffff;
	v7 =	vmul.f32 $5.000000000e-01, v7;
	v30 =	vmul.f32 v27, v54;
	v17 =	vsub.f32 $1.500000000e+00, v17  }
0xd8: {  	v19 =	vmul.f32 v24, v19;
	v9 =	vand.u32 $0x7FFFFFFF, v9;
	v11 =	vsub.f32 $1.500000000e+00, v23  }
0xd9: {  	v13 =	vsel vm12, $0xA, v13;
	v9 =	vmul.f32 $5.000000000e-01, v9;
	v12 =	vmul.f32 v17, v12  }
0xda: {  	v34 =	vimm.s32 $0x52;
	v33 =	vmul.f32 v19, v25;
	v11 =	vmul.f32 v11, v18  }
0xdb: {  	v13 =	vsel vm2, $0xB, v13;
	v18 =	vmul.f32 v30, v27;
	v14 =	vmul.f32 v12, v43  }
0xdc: {  	vm15 =	vlt.f32 v6, v4;
	v45 =	vld.idx.msk [tilespmem:v38+s2+$0x0], $0xffff;
	v7 =	vadd.f32 v7, v9;
	v9 =	vsub.f32 v0, v35  }
0xdd: {  	v17 =	vld.idx.msk [tilespmem:v29+s2+$0x0], $0xffff;
	v18 =	vsub.f32 $1.500000000e+00, v18;
	v32 =	vmul.f32 v14, v12;
	v14 =	vmul.f32 v33, v19  }
0xde: {  	v41 =	vsel vm13, $0xC, v13;
	v4 =	vsel vm15, v6, v4;
	v20 =	vmul.f32 v11, v48  }
0xdf: {  	v9 =	vand.u32 $0x7FFFFFFF, v9;
	v16 =	vmul.f32 v18, v27;
	v36 =	vsub.f32 $1.500000000e+00, v14  }
0xe0: {  	v9 =	vmul.f32 $5.000000000e-01, v9;
	v20 =	vmul.f32 v20, v11;
	v6 =	vsub.f32 $1.500000000e+00, v32  }
0xe1: {  	v51 =	vsub.f32 v0, v45;
	v43 =	vld.idx.msk [tilespmem:v34+s2+$0x0], $0xffff;
	v37 =	vmul.f32 v16, v54;
	v39 =	vmul.f32 v36, v19  }
0xe2: {  	v40 =	vsub.f32 v0, v17;
	v20 =	vsub.f32 $1.500000000e+00, v20;
	v6 =	vmul.f32 v6, v12  }
0xe3: {  	vm4 =	vlt.f32 v7, v4;
	v42 =	vmul.f32 v37, v16;
	v44 =	vmul.f32 v39, v25  }
0xe4: {  	v4 =	vsel vm4, v7, v4;
	v12 =	vand.u32 $0x7FFFFFFF, v40;
	v11 =	vmul.f32 v20, v11  }
0xe5: {  	v5 =	vmul.f32 v6, v5;
	v13 =	vsub.f32 $1.500000000e+00, v42;
	v17 =	vmul.f32 v44, v39  }
0xe6: {  	v49 =	vsub.f32 v0, v43;
	v12 =	vmul.f32 $5.000000000e-01, v12;
	v8 =	vmul.f32 v11, v8  }
0xe7: {  	v5 =	vmul.f32 $5.000000000e-01, v5;
	v46 =	vmul.f32 v13, v16;
	v47 =	vsub.f32 $1.500000000e+00, v17  }
0xe8: {  	v54 =	vand.u32 $0x7FFFFFFF, v51;
	v50 =	vand.u32 $0x7FFFFFFF, v49;
	v8 =	vmul.f32 $5.000000000e-01, v8  }
0xe9: {  	v5 =	vadd.f32 v5, v12;
	v48 =	vmul.f32 v46, v15;
	v6 =	vmul.f32 v47, v39  }
0xea: {  	v52 =	vmul.f32 $5.000000000e-01, v50;
	v11 =	vsel vm14, $0xD, v41;
	v8 =	vadd.f32 v8, v9  }
0xeb: {  	vm5 =	vlt.f32 v5, v4;
	v7 =	vmul.f32 $5.000000000e-01, v48;
	v6 =	vmul.f32 v6, v10  }
0xec: {  	v55 =	vmul.f32 $5.000000000e-01, v54;
	v53 =	vsel vm15, $0xE, v11;
	v4 =	vsel vm5, v5, v4  }
0xed: {  	vm6 =	vlt.f32 v8, v4;
	v5 =	vadd.f32 v7, v52;
	v6 =	vmul.f32 $5.000000000e-01, v6  }
0xee: {  	v9 =	vsel vm4, $0xF, v53;
	v4 =	vsel vm6, v8, v4  }
0xef: {  	v56 =	vsel vm5, $0x10, v9;
	vm7 =	vlt.f32 v5, v4;
	v6 =	vadd.f32 v6, v55  }
0xf0: {  	v57 =	vsel vm6, $0x11, v56;
	v4 =	vsel vm7, v5, v4  }
0xf1: {  	v58 =	vsel vm7, $0x12, v57;
	vm8 =	vlt.f32 v6, v4  }
0xf2: {  	v4 =	vsel vm8, $0x13, v58  }
0xf3: {  	v5 =	vshll.u32 v4, $0x2  }
0xf4: {  	v59 =	vadd.s32 $0x8, v5  }
0xf5: {  	v60 =	vadd.s32 $0x9, v5  }
0xf6: {  	v61 =	vadd.s32 $0xA, v5  }
0xf7: {  	v5 =	vadd.s32 $0xB, v5;
	_ =	sdelay $0x1  }
0xf8: {  	v6 =	vld.idx.msk [tilespmem:v59+s2+$0x0], $0xffff  }
0xf9: {  	v62 =	vadd.s32 $0xB, v1;
	v7 =	vld.idx.msk [tilespmem:v60+s2+$0x0], $0xffff  }
0xfa: {  	v63 =	vimm.f32 $0.0e+00;
	v21 =	vadd.s32 $0x4B, v1;
	v8 =	vld.idx.msk [tilespmem:v61+s2+$0x0], $0xffff  }
0xfb: {  	v5 =	vld.idx.msk [tilespmem:v5+s2+$0x0], $0xffff;
	[tilespmem:$0x180] =	vst v63  }
0xfc: {  	s26 =	simm.s32 $0x180;
	v20 =	vimm.f32 $1.000000000e+00;
	[tilespmem:$0x190] =	vst v63  }
0xfd: {  	[tilespmem:v4+s26+$0x0] =	vst.idx.msk $0xfff, v20  }
0xfe: {  	v4 =	vld.idx.msk [tilespmem:v62+s2+$0x0], $0xffff  }
0xff: {  	v9 =	vld.idx.msk [tilespmem:v21+s2+$0x0], $0xffff;
	_ =	sdelay $0x1  }
0x100: {  	v3 =	vsub.f32 v3, v6;
	v5 =	vadd.f32 $9.999999970e-07, v5  }
0x101: {  	v2 =	vsub.f32 v2, v7  }
0x102: {  	v4 =	vsub.f32 $1.000000000e+00, v4;
	v3 =	vmul.f32 v3, v3;
	v22 =	vand.u32 $0x7FFFFF, v5  }
0x103: {  	v2 =	vmul.f32 v2, v2;
	v9 =	vsub.f32 $1.000000000e+00, v9;
	v6 =	vor.u32 $0x3F800000, v22  }
0x104: {  	v4 =	vadd.f32 $9.999999970e-07, v4;
	v24 =	vmul.f32 $5.000000000e-01, v6  }
0x105: {  	v2 =	vadd.f32 v2, v3;
	vm9 =	vgt.f32 v6, $1.414213540e+00;
	v9 =	vadd.f32 $9.999999970e-07, v9  }
0x106: {  	v23 =	vand.u32 $0x7FFFFF, v4;
	v6 =	vsel vm9, v24, v6  }
0x107: {  	v26 =	vshrl.u32 v2, $0x1;
	v28 =	vand.u32 $0x7FFFFF, v9;
	v7 =	vor.u32 $0x3F800000, v23  }
0x108: {  	v11 =	vadd.f32 $1.000000000e+00, v6;
	v30 =	vor.u32 $0x3F800000, v28;
	v25 =	vmul.f32 $5.000000000e-01, v7  }
0x109: {  	v29 =	vmul.f32 $5.000000000e-01, v2;
	vm10 =	vgt.f32 v7, $1.414213540e+00;
	v31 =	vmul.f32 $5.000000000e-01, v30  }
0x10a: {  	vm11 =	vgt.f32 v30, $1.414213540e+00;
	(erf) = vrcp.f32 v11;
	v3 =	vsel vm10, v25, v7  }
0x10b: {  	v7 =	vsub.s32 $0x5F3759DF, v26;
	v11 =	vsel vm11, v31, v30;
	v27 =	vadd.f32 $1.000000000e+00, v3  }
0x10c: {  	v32 =	vmul.f32 v7, v29;
	v34 =	vadd.f32 $1.000000000e+00, v11  }
0x10d: {  	(erf) = vrcp.f32 v27  }
0x10e: {  	v33 =	vmul.f32 v7, v32;
	(erf) = vrcp.f32 v34;
	_ =	sdelay $0x1  }
0x10f: {  	v12 =	vsub.f32 $1.500000000e+00, v33;
	_ =	sdelay $0x1  }
0x110: {  	v7 =	vmul.f32 v7, v12;
	_ =	sdelay $0x1  }
0x111: {  	v37 =	vmul.f32 v7, v29  }
0x112: {  	v3 =	vadd.f32 $-1.000000000e+00, v3;
	v35 =	vpop (erf)  }
0x113: {  	v11 =	vadd.f32 $-1.000000000e+00, v11;
	v38 =	vmul.f32 v37, v7;
	v36 =	vpop (erf)  }
0x114: {  	v3 =	vmul.f32 v36, v3;
	v43 =	vpop (erf)  }
0x115: {  	v12 =	vsub.f32 $1.500000000e+00, v38;
	v11 =	vmul.f32 v43, v11  }
0x116: {  	v40 =	vmul.f32 v3, v3  }
0x117: {  	v7 =	vmul.f32 v12, v7;
	v46 =	vmul.f32 v11, v11  }
0x118: {  	v52 =	vadd.s32 $0xA, v1;
	v6 =	vadd.f32 $-1.000000000e+00, v6;
	v42 =	vmul.f32 $1.111111120e-01, v40  }
0x119: {  	v1 =	vadd.s32 $0x4A, v1;
	v14 =	vmul.f32 v7, v29;
	v47 =	vmul.f32 $1.111111120e-01, v46  }
0x11a: {  	v0 =	vsub.f32 v0, v8;
	v6 =	vmul.f32 v35, v6;
	v45 =	vadd.f32 $1.428571490e-01, v42  }
0x11b: {  	v5 =	vshrl.u32 v5, $0x17;
	v14 =	vmul.f32 v14, v7;
	v18 =	vadd.f32 $1.428571490e-01, v47  }
0x11c: {  	v0 =	vand.u32 $0x7FFFFFFF, v0;
	v39 =	vmul.f32 v6, v6;
	v16 =	vmul.f32 v45, v40  }
0x11d: {  	v4 =	vshrl.u32 v4, $0x17;
	v14 =	vsub.f32 $1.500000000e+00, v14;
	v48 =	vmul.f32 v18, v46  }
0x11e: {  	v9 =	vshrl.u32 v9, $0x17;
	v41 =	vmul.f32 $1.111111120e-01, v39;
	v16 =	vadd.f32 $2.000000030e-01, v16  }
0x11f: {  	v4 =	vadd.s32 $0xFFFFFF81, v4;
	v7 =	vmul.f32 v14, v7;
	v49 =	vadd.f32 $2.000000030e-01, v48  }
0x120: {  	v4 =	vcvt.s32.f32 v4;
	v44 =	vadd.f32 $1.428571490e-01, v41;
	v16 =	vmul.f32 v16, v40  }
0x121: {  	v9 =	vadd.s32 $0xFFFFFF81, v9;
	v2 =	vmul.f32 v7, v2;
	v7 =	vmul.f32 v49, v46  }
0x122: {  	v5 =	vadd.s32 $0xFFFFFF81, v5;
	v9 =	vcvt.s32.f32 v9;
	v12 =	vmul.f32 v44, v39  }
0x123: {  	v50 =	vsel vm10, $0x3F800000, v63;
	v16 =	vadd.f32 $3.333333430e-01, v16;
	v7 =	vadd.f32 $3.333333430e-01, v7  }
0x124: {  	v53 =	vsel vm11, $0x3F800000, v63;
	v4 =	vadd.f32 v4, v50;
	v12 =	vadd.f32 $2.000000030e-01, v12  }
0x125: {  	v54 =	vld.idx.msk [tilespmem:v52+s2+$0x0], $0xffff;
	v9 =	vadd.f32 v9, v53;
	v51 =	vmul.f32 v16, v40;
	v7 =	vmul.f32 v7, v46  }
0x126: {  	v1 =	vld.idx.msk [tilespmem:v1+s2+$0x0], $0xffff;
	v3 =	vadd.f32 v3, v3;
	v11 =	vadd.f32 v11, v11;
	v12 =	vmul.f32 v12, v39  }
0x127: {  	v5 =	vcvt.s32.f32 v5;
	v13 =	vadd.f32 $1.000000000e+00, v51;
	v7 =	vadd.f32 $1.000000000e+00, v7  }
0x128: {  	v4 =	vmul.f32 $6.931471820e-01, v4;
	v9 =	vmul.f32 $6.931471820e-01, v9;
	v12 =	vadd.f32 $3.333333430e-01, v12  }
0x129: {  	v55 =	vsel vm9, $0x3F800000, v63;
	v3 =	vmul.f32 v13, v3;
	v7 =	vmul.f32 v7, v11  }
0x12a: {  	v58 =	vmul.f32 $5.000000000e-01, v54;
	v5 =	vadd.f32 v5, v55;
	v12 =	vmul.f32 v12, v39  }
0x12b: {  	v1 =	vmul.f32 $5.000000000e-01, v1;
	v3 =	vadd.f32 v3, v4;
	v7 =	vadd.f32 v7, v9  }
0x12c: {  	v57 =	vld [tilespmem:$0x190];
	v0 =	vmul.f32 $5.000000000e-01, v0;
	v6 =	vadd.f32 v6, v6;
	v56 =	vadd.f32 $1.000000000e+00, v12  }
0x12d: {  	v59 =	vld [tilespmem:$0x180];
	v5 =	vmul.f32 $6.931471820e-01, v5;
	v3 =	vsub.f32 $0.0e+00, v3;
	v7 =	vsub.f32 $0.0e+00, v7  }
0x12e: {  	v2 =	vmul.f32 $5.000000000e-01, v2;
	v4 =	vmul.f32 v56, v6  }
0x12f: {  	v3 =	vadd.f32 v3, v58;
	v1 =	vadd.f32 v7, v1  }
0x130: {  	vm13 =	vmmov $0xf;
	v0 =	vadd.f32 v2, v0;
	v60 =	vadd.f32 v4, v5  }
0x131: {  	vm12 =	veq.f32 v57, $0.0e+00;
	v3 =	vmul.f32 $5.000000000e-01, v3;
	v1 =	vmul.f32 $5.000000000e-01, v1  }
0x132: {  	vm14 =	veq.f32 v59, $0.0e+00;
	vm0 =	vmand vm12, vm13;
	v0 =	vsub.f32 v0, v60  }
0x133: {  	vm15 =	vmmov $0xfff;
	v61 =	vnsel vm14, $0x0, v3;
	v1 =	vnsel vm0, $0x0, v1  }
0x134: {  	v0 =	vnsel vm15, $0x0, v0;
	v1 =	vadd.f32 v1, v61  }
0x135: {  	(xrf2) =	vadd.scan.msk.f32 $0xffff, v0  }
0x136: {  	(xrf2) =	vadd.scan.msk.f32 $0xffff, v1;
	_ =	sdelay $0x8  }
0x137: {  	v0, _, _ =	vpop (xrf2)  }
0x138: {  	(v2sf) =	vpush v0, $0xF;
	v62, _, _ =	vpop (xrf2)  }
0x139: {  	(v2sf) =	vpush v62, $0xF;
	_ =	sdelay $0xd  }
0x13a: {  	s28 =	spop (v2sf)  }
0x13b: {  	s3 =	smul.f32 $8.333333580e-02, s28;
	s29 =	spop (v2sf)  }
0x13c: {  	s4 =	smul.f32 $1.250000000e-01, s29;
	_ =	sdelay $0x1  }
0x13d: {  	s3 =	sadd.f32 s4, s3;
	_ =	sdelay $0x1  }
0x13e: {  	v63 =	vmov s3  }
0x13f: {  	s30 =	simm.s32 $0x200;
	s31 =	simm.s32 $0x3;
	[tilespmem:$0x200] =	vst v63  }
0x140: {  	[hbm4b:s1+s2] =	stream.linear.scatter [tilespmem:s30], [sflag:$0x3], $0x80, $0x38;
	[tilespmem:$0x280] =	vst v63  }
0x141: {  	_ =	swait.ge [sflag:s31], $0x80  }
0x142: {  	[sflag:s31] =	ssyncset.done $0x0  }
0x143: {  	[sflag:s31] =	ssyncadd.s32 $0xFFFFFF80  }
0x144: {  	_ =	sfence.sel $0x180000  }
0x145: {  	[bflag:$0x0] =	sbarrier.arrive $0xFFFF  }
0x146: {  	_ =	strace $0x90000047  }
0x147: {  	s0 =	sadd.s32 $0x100000, s0;
	[bflag:$0x2] =	sbarrier.arrive $0xFFFF  }
0x148: {  	[sflag:s0] =	ssyncadd.tile.s32 $0x1;
	_ =	shalt  }
.Lfunc_end2:
_tile_overlayer_lowered:
.L_overlay_start_2:
0x149: {  	(tag) =	ssettag $0x2  }
0x14a: {  	s0 =	rddreg [dreg:$0x0];
	s2 =	stileid.u32  }
0x14b: {  	s1 =	rddreg [dreg:$0x1];
	p0 =	sne.s32 s2, $0x0  }
0x14c: {  	s3 =	rddreg [dreg:$0x2];
	[bflag:$0x3] =	sbarrier.arrive $0xFFFF;
	s2 =	simm.s32 @!p0 $0x1C03  }
0x14d: {  	[timem:s3], [sflag:s2] =	dma.local @!p0 [hbm:s0], s1  }
0x14e: {  	s0 =	simm.s32 @!p0 $0x3  }
0x14f: {  	_ =	swait.ge @!p0 [sflag:s0], s1  }
0x150: {  	s1 =	ssub.s32 @!p0 $0x0, s1;
	[sflag:s0] =	ssyncset.done @!p0 $0x0  }
0x151: {  	[sflag:s0] =	ssyncadd.s32 @!p0 s1  }
0x152: {  	[bflag:$0x3] =	sbarrier.arrive $0xFFFF  }
0x153: {  	_ =	shalt  }

</sc_bundles>
